<compile_context>
chip_gen: v7x
topology: tpu7x:2x2x1
jax: 0.10.2.dev20260603
libtpu: 0.0.44.dev20260713+nightly
codegen_flags: <defaults>
</compile_context>

<pallas_src>
import functools

import jax
import jax.numpy as jnp
from jax import lax
from jax.experimental import pallas as pl
from jax.experimental.pallas import tpu as pltpu
from jax.experimental.pallas import tpu_sc as plsc

B = 16384
D = 64
NC, NS = 2, 16
NW = NC * NS
BPW = B // NW
L = 16
CH = 128
NCH = BPW // CH
ROWS = 4096


def _sc_body(w01, w23, sex, tl, msi, st, age, out, nout,
             i0, i1, i2, i3, q0, q1, t0, t1, b00, b01, b10, b11,
             age_f, age_v, age_w,
             s0, s1, s2, s3, g00, g01, g10, g11, ws00, ws01, ws10, ws11,
             tsem, asem0, asem1):
    wid = lax.axis_index("s") * NC + lax.axis_index("c")
    base = wid * BPW
    idx_v = (i0, i1, i2, i3)
    q = (q0, q1)
    spm = (t0, t1)
    bufs = ((b00, b01), (b10, b11))
    gsems = ((g00, g01), (g10, g11))
    wsems = ((ws00, ws01), (ws10, ws11))

    @pl.when(lax.axis_index("s") == 0)
    def _():
        for w_ref, t_ref in zip((w01, w23), spm):
            pltpu.async_copy(w_ref, t_ref, tsem).wait()

    icopies = [
        pltpu.async_copy(src.at[pl.ds(base, BPW)], dst, sem)
        for src, dst, sem in zip((sex, tl, msi, st), idx_v, (s0, s1, s2, s3))
    ]
    asems = (asem0, asem1)
    acopy = pltpu.async_copy(age, age_f, asem0)
    for c in icopies:
        c.wait()

    for k in range(BPW // L):
        sl = pl.ds(L * k, L)
        q0[sl] = idx_v[0][sl] * 10 + idx_v[1][sl]
        q1[sl] = idx_v[2][sl] * 10 + idx_v[3][sl]

    plsc.subcore_barrier()

    def fire_gather(c, p):
        return pltpu.async_copy(
            spm[p].at[q[p].at[pl.ds(CH * c, CH)]],
            bufs[p][c % 2], gsems[p][c % 2])

    writes = {}
    gathers = {(0, p): fire_gather(0, p) for p in range(2)}

    acopy.wait()

    def stat_step(k, carry):
        s, s2 = carry
        v = age_f[pl.ds(L * k, L)]
        return s + v, s2 + v * v

    zeros = jnp.zeros((L,), jnp.float32)
    s, s2 = lax.fori_loop(0, B // L, stat_step, (zeros, zeros))
    mean = jnp.sum(s) * (1.0 / B)
    var = (jnp.sum(s2) - B * mean * mean) * (1.0 / (B - 1))
    var_v = jnp.full((L,), var, jnp.float32)
    y = plsc.bitcast(0x5F3759DF - (plsc.bitcast(var_v, jnp.int32) >> 1),
                     jnp.float32)
    for _ in range(4):
        y = y * (1.5 - 0.5 * var_v * y * y)
    mean_v = jnp.full((L,), mean, jnp.float32)

    lane = lax.iota(jnp.int32, L)
    zero = lane * 0
    avs = (age_v, age_w)
    was = []
    for j in range(NCH):
        av = avs[j % 2]
        if j >= 2:
            was[j - 2].wait()
        for k in range(CH // L):
            v = age_f[pl.ds(base + CH * j + L * k, L)]
            plsc.store_scatter(av, [lane + L * k, zero], (v - mean_v) * y)
        was.append(pltpu.async_copy(
            av, nout.at[pl.ds(base + CH * j, CH), :],
            asems[j % 2]))

    for c in range(NCH):
        for p in range(2):
            gathers[(c, p)].wait()
            writes[(c, p)] = pltpu.async_copy(
                bufs[p][c % 2],
                out.at[pl.ds(base + CH * c, CH), pl.ds(128 * p, 128)],
                wsems[p][c % 2])
        if c + 1 < NCH:
            for p in range(2):
                if c >= 1:
                    writes[(c - 1, p)].wait()
                gathers[(c + 1, p)] = fire_gather(c + 1, p)
    for p in range(2):
        writes[(NCH - 2, p)].wait()
        writes[(NCH - 1, p)].wait()
    was[NCH - 2].wait()
    was[NCH - 1].wait()


_sc_lookup = functools.partial(
    pl.kernel,
    mesh=plsc.VectorSubcoreMesh(core_axis_name="c", subcore_axis_name="s"),
    out_type=(jax.ShapeDtypeStruct((B, 4 * D), jnp.float32),
              jax.ShapeDtypeStruct((B, 1), jnp.float32)),
    scratch_types=[
        pltpu.VMEM((BPW,), jnp.int32),
        pltpu.VMEM((BPW,), jnp.int32),
        pltpu.VMEM((BPW,), jnp.int32),
        pltpu.VMEM((BPW,), jnp.int32),
        pltpu.VMEM((BPW,), jnp.int32),
        pltpu.VMEM((BPW,), jnp.int32),
        pltpu.VMEM_SHARED((100, 128), jnp.float32),
        pltpu.VMEM_SHARED((100, 128), jnp.float32),
        pltpu.VMEM((CH, 128), jnp.float32),
        pltpu.VMEM((CH, 128), jnp.float32),
        pltpu.VMEM((CH, 128), jnp.float32),
        pltpu.VMEM((CH, 128), jnp.float32),
        pltpu.VMEM((B,), jnp.float32),
        pltpu.VMEM((CH, 1), jnp.float32),
        pltpu.VMEM((CH, 1), jnp.float32),
        pltpu.SemaphoreType.DMA,
        pltpu.SemaphoreType.DMA,
        pltpu.SemaphoreType.DMA,
        pltpu.SemaphoreType.DMA,
        pltpu.SemaphoreType.DMA,
        pltpu.SemaphoreType.DMA,
        pltpu.SemaphoreType.DMA,
        pltpu.SemaphoreType.DMA,
        pltpu.SemaphoreType.DMA,
        pltpu.SemaphoreType.DMA,
        pltpu.SemaphoreType.DMA,
        pltpu.SemaphoreType.DMA,
        pltpu.SemaphoreType.DMA,
        pltpu.SemaphoreType.DMA,
        pltpu.SemaphoreType.DMA,
    ],
    compiler_params=pltpu.CompilerParams(use_tc_tiling_on_sc=True,
                                         needs_layout_passes=False),
)(_sc_body)


def _assemble_body(emb_ref, nage_ref, o_ref):
    o_ref[:, : 4 * D] = emb_ref[...]
    o_ref[:, 4 * D:] = nage_ref[...]


_assemble = pl.pallas_call(
    _assemble_body,
    grid=(B // ROWS,),
    in_specs=[
        pl.BlockSpec((ROWS, 4 * D), lambda i: (i, 0)),
        pl.BlockSpec((ROWS, 1), lambda i: (i, 0)),
    ],
    out_specs=pl.BlockSpec((ROWS, 4 * D + 1), lambda i: (i, 0)),
    out_shape=jax.ShapeDtypeStruct((B, 4 * D + 1), jnp.float32),
)


def kernel(sex, tumor_location, msi_status, stage, age,
           W_sex, W_tumor_location, W_msi_status, W_stage):
    w01 = jnp.concatenate(
        [jnp.repeat(W_sex, 10, axis=0), jnp.tile(W_tumor_location, (10, 1))],
        axis=1)
    w23 = jnp.concatenate(
        [jnp.repeat(W_msi_status, 10, axis=0), jnp.tile(W_stage, (10, 1))],
        axis=1)
    emb, nage = _sc_lookup(w01, w23, sex, tumor_location, msi_status, stage,
                           age)
    return _assemble(emb, nage)

# --- scband reference (transcript-rebuilt; emitter-appended) ---
"""Pipeline reference for scband-clinical-metadata-processor-83846351553088 (READ-ONLY COPY).

The authoritative reference and input builder live on the scoring server;
editing this copy changes nothing except your own understanding.
"""

import jax, jax.numpy as jnp
import numpy as np

B = 16384
D = 64
VOCAB = 10
CAT_FEATURES = ["sex", "tumor_location", "msi_status", "stage"]

def setup_inputs(seed: int = 0) -> dict:
    key = jax.random.key(seed)
    ks = jax.random.split(key, 9)
    inp = {}
    for i, f in enumerate(CAT_FEATURES):
        inp[f] = jax.random.randint(ks[i], (B,), 0, VOCAB, dtype=jnp.int32)
    inp["age"] = jax.random.normal(ks[4], (B,), dtype=jnp.float32) * 15.0 + 60.0
    for i, f in enumerate(CAT_FEATURES):
        inp["W_" + f] = jax.random.normal(ks[5 + i], (VOCAB, D), dtype=jnp.float32) * 0.02
    return inp

def reference(sex, tumor_location, msi_status, stage, age, W_sex, W_tumor_location, W_msi_status, W_stage):
    # categorical embedding lookups (gathers)
    embeddings = [
        jnp.take(W_sex, sex, axis=0),
        jnp.take(W_tumor_location, tumor_location, axis=0),
        jnp.take(W_msi_status, msi_status, axis=0),
        jnp.take(W_stage, stage, axis=0),
    ]
    # numerical feature: normalized in-batch (torch .std() uses ddof=1)
    normalized = (age - jnp.mean(age)) / (jnp.std(age, ddof=1) + 1e-06)
    embeddings.append(normalized[:, None])
    return jnp.concatenate(embeddings, axis=-1)

if __name__ == "__main__":
    import jax
    _d = setup_inputs()
    print(jax.jit(kernel)(*tuple(_d.values())))

</pallas_src>

<mosaic_0001>
#map = affine_map<(d0, d1) -> (0, 0)>
#map1 = affine_map<(d0, d1) -> (0)>
module attributes {stable_mosaic.version = 14 : i64} {
  func.func @_sc_body(%arg0: i32, %arg1: i32, %arg2: memref<100x128xf32, #tpu.memory_space<hbm>>, %arg3: memref<100x128xf32, #tpu.memory_space<hbm>>, %arg4: memref<16384xi32, #tpu.memory_space<hbm>>, %arg5: memref<16384xi32, #tpu.memory_space<hbm>>, %arg6: memref<16384xi32, #tpu.memory_space<hbm>>, %arg7: memref<16384xi32, #tpu.memory_space<hbm>>, %arg8: memref<16384xf32, #tpu.memory_space<hbm>>, %arg9: memref<16384x256xf32, #tpu.memory_space<hbm>>, %arg10: memref<16384x1xf32, #tpu.memory_space<hbm>>, %arg11: memref<512xi32, #tpu.memory_space<vmem>>, %arg12: memref<512xi32, #tpu.memory_space<vmem>>, %arg13: memref<512xi32, #tpu.memory_space<vmem>>, %arg14: memref<512xi32, #tpu.memory_space<vmem>>, %arg15: memref<512xi32, #tpu.memory_space<vmem>>, %arg16: memref<512xi32, #tpu.memory_space<vmem>>, %arg17: memref<100x128xf32, #tpu.memory_space<vmem_shared>>, %arg18: memref<100x128xf32, #tpu.memory_space<vmem_shared>>, %arg19: memref<128x128xf32, #tpu.memory_space<vmem>>, %arg20: memref<128x128xf32, #tpu.memory_space<vmem>>, %arg21: memref<128x128xf32, #tpu.memory_space<vmem>>, %arg22: memref<128x128xf32, #tpu.memory_space<vmem>>, %arg23: memref<16384xf32, #tpu.memory_space<vmem>>, %arg24: memref<128x1xf32, #tpu.memory_space<vmem>>, %arg25: memref<128x1xf32, #tpu.memory_space<vmem>>, %arg26: memref<!tpu.dma_semaphore, #tpu.memory_space<semaphore_mem>>, %arg27: memref<!tpu.dma_semaphore, #tpu.memory_space<semaphore_mem>>, %arg28: memref<!tpu.dma_semaphore, #tpu.memory_space<semaphore_mem>>, %arg29: memref<!tpu.dma_semaphore, #tpu.memory_space<semaphore_mem>>, %arg30: memref<!tpu.dma_semaphore, #tpu.memory_space<semaphore_mem>>, %arg31: memref<!tpu.dma_semaphore, #tpu.memory_space<semaphore_mem>>, %arg32: memref<!tpu.dma_semaphore, #tpu.memory_space<semaphore_mem>>, %arg33: memref<!tpu.dma_semaphore, #tpu.memory_space<semaphore_mem>>, %arg34: memref<!tpu.dma_semaphore, #tpu.memory_space<semaphore_mem>>, %arg35: memref<!tpu.dma_semaphore, #tpu.memory_space<semaphore_mem>>, %arg36: memref<!tpu.dma_semaphore, #tpu.memory_space<semaphore_mem>>, %arg37: memref<!tpu.dma_semaphore, #tpu.memory_space<semaphore_mem>>, %arg38: memref<!tpu.dma_semaphore, #tpu.memory_space<semaphore_mem>>, %arg39: memref<!tpu.dma_semaphore, #tpu.memory_space<semaphore_mem>>, %arg40: memref<!tpu.dma_semaphore, #tpu.memory_space<semaphore_mem>>) attributes {dimension_semantics = [#tpu.dimension_semantics<core_parallel>, #tpu.dimension_semantics<subcore_parallel>], iteration_bounds = array<i64: 2, 16>, scalar_prefetch = 0 : i64, scratch_operands = 30 : i64, tpu.core_type = #tpu.core_type<sc_vector_subcore>, window_params = [{transform_indices = #map}, {transform_indices = #map}, {transform_indices = #map1}, {transform_indices = #map1}, {transform_indices = #map1}, {transform_indices = #map1}, {transform_indices = #map1}, {transform_indices = #map}, {transform_indices = #map}]} {
    %mul3A = arith.constant 2 : i32
    %mul3A_0 = arith.muli %arg1, %mul3A : i32
    %add3A = arith.addi %mul3A_0, %arg0 : i32
    %mul3A_1 = arith.constant 512 : i32
    %mul3A_2 = arith.muli %add3A, %mul3A_1 : i32
    %eq3A = arith.constant 0 : i32
    %eq3A_3 = arith.cmpi eq, %arg1, %eq3A : i32
    %convert_element_type3A = arith.extui %eq3A_3 : i1 to i32
    %cond3A = arith.constant 0 : i32
    %cond3A_4 = arith.cmpi ne, %convert_element_type3A, %cond3A : i32
    scf.if %cond3A_4 {
      tpu.enqueue_dma source(%arg2 : memref<100x128xf32, #tpu.memory_space<hbm>>) target(%arg17 : memref<100x128xf32, #tpu.memory_space<vmem_shared>>) target_semaphore(%arg38 : memref<!tpu.dma_semaphore, #tpu.memory_space<semaphore_mem>>)
      tpu.wait_dma2 semaphore(%arg38 : memref<!tpu.dma_semaphore, #tpu.memory_space<semaphore_mem>>) src(%arg2 : memref<100x128xf32, #tpu.memory_space<hbm>>) dst(%arg17 : memref<100x128xf32, #tpu.memory_space<vmem_shared>>)
      tpu.enqueue_dma source(%arg3 : memref<100x128xf32, #tpu.memory_space<hbm>>) target(%arg18 : memref<100x128xf32, #tpu.memory_space<vmem_shared>>) target_semaphore(%arg38 : memref<!tpu.dma_semaphore, #tpu.memory_space<semaphore_mem>>)
      tpu.wait_dma2 semaphore(%arg38 : memref<!tpu.dma_semaphore, #tpu.memory_space<semaphore_mem>>) src(%arg3 : memref<100x128xf32, #tpu.memory_space<hbm>>) dst(%arg18 : memref<100x128xf32, #tpu.memory_space<vmem_shared>>)
    } else {
    }
    %dma_start3A = tpu.memref_slice %arg4[%mul3A_2] : memref<16384xi32, #tpu.memory_space<hbm>> -> memref<512xi32, #tpu.memory_space<hbm>>
    %dma_start3A_5 = tpu.memref_slice %arg4[%mul3A_2] : memref<16384xi32, #tpu.memory_space<hbm>> -> memref<512xi32, #tpu.memory_space<hbm>>
    tpu.enqueue_dma source(%dma_start3A_5 : memref<512xi32, #tpu.memory_space<hbm>>) target(%arg11 : memref<512xi32, #tpu.memory_space<vmem>>) target_semaphore(%arg26 : memref<!tpu.dma_semaphore, #tpu.memory_space<semaphore_mem>>)
    %dma_start3A_6 = tpu.memref_slice %arg5[%mul3A_2] : memref<16384xi32, #tpu.memory_space<hbm>> -> memref<512xi32, #tpu.memory_space<hbm>>
    %dma_start3A_7 = tpu.memref_slice %arg5[%mul3A_2] : memref<16384xi32, #tpu.memory_space<hbm>> -> memref<512xi32, #tpu.memory_space<hbm>>
    tpu.enqueue_dma source(%dma_start3A_7 : memref<512xi32, #tpu.memory_space<hbm>>) target(%arg12 : memref<512xi32, #tpu.memory_space<vmem>>) target_semaphore(%arg27 : memref<!tpu.dma_semaphore, #tpu.memory_space<semaphore_mem>>)
    %dma_start3A_8 = tpu.memref_slice %arg6[%mul3A_2] : memref<16384xi32, #tpu.memory_space<hbm>> -> memref<512xi32, #tpu.memory_space<hbm>>
    %dma_start3A_9 = tpu.memref_slice %arg6[%mul3A_2] : memref<16384xi32, #tpu.memory_space<hbm>> -> memref<512xi32, #tpu.memory_space<hbm>>
    tpu.enqueue_dma source(%dma_start3A_9 : memref<512xi32, #tpu.memory_space<hbm>>) target(%arg13 : memref<512xi32, #tpu.memory_space<vmem>>) target_semaphore(%arg28 : memref<!tpu.dma_semaphore, #tpu.memory_space<semaphore_mem>>)
    %dma_start3A_10 = tpu.memref_slice %arg7[%mul3A_2] : memref<16384xi32, #tpu.memory_space<hbm>> -> memref<512xi32, #tpu.memory_space<hbm>>
    %dma_start3A_11 = tpu.memref_slice %arg7[%mul3A_2] : memref<16384xi32, #tpu.memory_space<hbm>> -> memref<512xi32, #tpu.memory_space<hbm>>
    tpu.enqueue_dma source(%dma_start3A_11 : memref<512xi32, #tpu.memory_space<hbm>>) target(%arg14 : memref<512xi32, #tpu.memory_space<vmem>>) target_semaphore(%arg29 : memref<!tpu.dma_semaphore, #tpu.memory_space<semaphore_mem>>)
    tpu.enqueue_dma source(%arg8 : memref<16384xf32, #tpu.memory_space<hbm>>) target(%arg23 : memref<16384xf32, #tpu.memory_space<vmem>>) target_semaphore(%arg39 : memref<!tpu.dma_semaphore, #tpu.memory_space<semaphore_mem>>)
    %dma_wait3A = tpu.memref_slice %arg4[%mul3A_2] : memref<16384xi32, #tpu.memory_space<hbm>> -> memref<512xi32, #tpu.memory_space<hbm>>
    %dma_wait3A_12 = tpu.memref_slice %arg4[%mul3A_2] : memref<16384xi32, #tpu.memory_space<hbm>> -> memref<512xi32, #tpu.memory_space<hbm>>
    tpu.wait_dma2 semaphore(%arg26 : memref<!tpu.dma_semaphore, #tpu.memory_space<semaphore_mem>>) src(%dma_wait3A_12 : memref<512xi32, #tpu.memory_space<hbm>>) dst(%arg11 : memref<512xi32, #tpu.memory_space<vmem>>)
    %dma_wait3A_13 = tpu.memref_slice %arg5[%mul3A_2] : memref<16384xi32, #tpu.memory_space<hbm>> -> memref<512xi32, #tpu.memory_space<hbm>>
    %dma_wait3A_14 = tpu.memref_slice %arg5[%mul3A_2] : memref<16384xi32, #tpu.memory_space<hbm>> -> memref<512xi32, #tpu.memory_space<hbm>>
    tpu.wait_dma2 semaphore(%arg27 : memref<!tpu.dma_semaphore, #tpu.memory_space<semaphore_mem>>) src(%dma_wait3A_14 : memref<512xi32, #tpu.memory_space<hbm>>) dst(%arg12 : memref<512xi32, #tpu.memory_space<vmem>>)
    %dma_wait3A_15 = tpu.memref_slice %arg6[%mul3A_2] : memref<16384xi32, #tpu.memory_space<hbm>> -> memref<512xi32, #tpu.memory_space<hbm>>
    %dma_wait3A_16 = tpu.memref_slice %arg6[%mul3A_2] : memref<16384xi32, #tpu.memory_space<hbm>> -> memref<512xi32, #tpu.memory_space<hbm>>
    tpu.wait_dma2 semaphore(%arg28 : memref<!tpu.dma_semaphore, #tpu.memory_space<semaphore_mem>>) src(%dma_wait3A_16 : memref<512xi32, #tpu.memory_space<hbm>>) dst(%arg13 : memref<512xi32, #tpu.memory_space<vmem>>)
    %dma_wait3A_17 = tpu.memref_slice %arg7[%mul3A_2] : memref<16384xi32, #tpu.memory_space<hbm>> -> memref<512xi32, #tpu.memory_space<hbm>>
    %dma_wait3A_18 = tpu.memref_slice %arg7[%mul3A_2] : memref<16384xi32, #tpu.memory_space<hbm>> -> memref<512xi32, #tpu.memory_space<hbm>>
    tpu.wait_dma2 semaphore(%arg29 : memref<!tpu.dma_semaphore, #tpu.memory_space<semaphore_mem>>) src(%dma_wait3A_18 : memref<512xi32, #tpu.memory_space<hbm>>) dst(%arg14 : memref<512xi32, #tpu.memory_space<vmem>>)
    %get3A = arith.constant 0 : index
    %get3A_19 = tpu.vector_load %arg11[%get3A] {strides = array<i32>} : memref<512xi32, #tpu.memory_space<vmem>>, vector<16xi32>,
    %mul3A_20 = arith.constant 10 : i32
    %mul3A_21 = vector.broadcast %mul3A_20 : i32 to vector<16xi32>
    %mul3A_22 = arith.muli %get3A_19, %mul3A_21 : vector<16xi32>
    %get3A_23 = arith.constant 0 : index
    %get3A_24 = tpu.vector_load %arg12[%get3A_23] {strides = array<i32>} : memref<512xi32, #tpu.memory_space<vmem>>, vector<16xi32>,
    %add3A_25 = arith.addi %mul3A_22, %get3A_24 : vector<16xi32>
    %swap3A = arith.constant 0 : index
    %swap3A_26 = tpu.vector_load %arg15[%swap3A] {strides = array<i32>} : memref<512xi32, #tpu.memory_space<vmem>>, vector<16xi32>,
    tpu.vector_store %arg15[%swap3A], %add3A_25 {strides = array<i32>} : memref<512xi32, #tpu.memory_space<vmem>>, vector<16xi32>,
    %get3A_27 = arith.constant 0 : index
    %get3A_28 = tpu.vector_load %arg13[%get3A_27] {strides = array<i32>} : memref<512xi32, #tpu.memory_space<vmem>>, vector<16xi32>,
    %mul3A_29 = arith.constant 10 : i32
    %mul3A_30 = vector.broadcast %mul3A_29 : i32 to vector<16xi32>
    %mul3A_31 = arith.muli %get3A_28, %mul3A_30 : vector<16xi32>
    %get3A_32 = arith.constant 0 : index
    %get3A_33 = tpu.vector_load %arg14[%get3A_32] {strides = array<i32>} : memref<512xi32, #tpu.memory_space<vmem>>, vector<16xi32>,
    %add3A_34 = arith.addi %mul3A_31, %get3A_33 : vector<16xi32>
    %swap3A_35 = arith.constant 0 : index
    %swap3A_36 = tpu.vector_load %arg16[%swap3A_35] {strides = array<i32>} : memref<512xi32, #tpu.memory_space<vmem>>, vector<16xi32>,
    tpu.vector_store %arg16[%swap3A_35], %add3A_34 {strides = array<i32>} : memref<512xi32, #tpu.memory_space<vmem>>, vector<16xi32>,
    %get3A_37 = arith.constant 16 : index
    %get3A_38 = tpu.vector_load %arg11[%get3A_37] {strides = array<i32>} : memref<512xi32, #tpu.memory_space<vmem>>, vector<16xi32>,
    %mul3A_39 = arith.constant 10 : i32
    %mul3A_40 = vector.broadcast %mul3A_39 : i32 to vector<16xi32>
    %mul3A_41 = arith.muli %get3A_38, %mul3A_40 : vector<16xi32>
    %get3A_42 = arith.constant 16 : index
    %get3A_43 = tpu.vector_load %arg12[%get3A_42] {strides = array<i32>} : memref<512xi32, #tpu.memory_space<vmem>>, vector<16xi32>,
    %add3A_44 = arith.addi %mul3A_41, %get3A_43 : vector<16xi32>
    %swap3A_45 = arith.constant 16 : index
    %swap3A_46 = tpu.vector_load %arg15[%swap3A_45] {strides = array<i32>} : memref<512xi32, #tpu.memory_space<vmem>>, vector<16xi32>,
    tpu.vector_store %arg15[%swap3A_45], %add3A_44 {strides = array<i32>} : memref<512xi32, #tpu.memory_space<vmem>>, vector<16xi32>,
    %get3A_47 = arith.constant 16 : index
    %get3A_48 = tpu.vector_load %arg13[%get3A_47] {strides = array<i32>} : memref<512xi32, #tpu.memory_space<vmem>>, vector<16xi32>,
    %mul3A_49 = arith.constant 10 : i32
    %mul3A_50 = vector.broadcast %mul3A_49 : i32 to vector<16xi32>
    %mul3A_51 = arith.muli %get3A_48, %mul3A_50 : vector<16xi32>
    %get3A_52 = arith.constant 16 : index
    %get3A_53 = tpu.vector_load %arg14[%get3A_52] {strides = array<i32>} : memref<512xi32, #tpu.memory_space<vmem>>, vector<16xi32>,
    %add3A_54 = arith.addi %mul3A_51, %get3A_53 : vector<16xi32>
    %swap3A_55 = arith.constant 16 : index
    %swap3A_56 = tpu.vector_load %arg16[%swap3A_55] {strides = array<i32>} : memref<512xi32, #tpu.memory_space<vmem>>, vector<16xi32>,
    tpu.vector_store %arg16[%swap3A_55], %add3A_54 {strides = array<i32>} : memref<512xi32, #tpu.memory_space<vmem>>, vector<16xi32>,
    %get3A_57 = arith.constant 32 : index
    %get3A_58 = tpu.vector_load %arg11[%get3A_57] {strides = array<i32>} : memref<512xi32, #tpu.memory_space<vmem>>, vector<16xi32>,
    %mul3A_59 = arith.constant 10 : i32
    %mul3A_60 = vector.broadcast %mul3A_59 : i32 to vector<16xi32>
    %mul3A_61 = arith.muli %get3A_58, %mul3A_60 : vector<16xi32>
    %get3A_62 = arith.constant 32 : index
    %get3A_63 = tpu.vector_load %arg12[%get3A_62] {strides = array<i32>} : memref<512xi32, #tpu.memory_space<vmem>>, vector<16xi32>,
    %add3A_64 = arith.addi %mul3A_61, %get3A_63 : vector<16xi32>
    %swap3A_65 = arith.constant 32 : index
    %swap3A_66 = tpu.vector_load %arg15[%swap3A_65] {strides = array<i32>} : memref<512xi32, #tpu.memory_space<vmem>>, vector<16xi32>,
    tpu.vector_store %arg15[%swap3A_65], %add3A_64 {strides = array<i32>} : memref<512xi32, #tpu.memory_space<vmem>>, vector<16xi32>,
    %get3A_67 = arith.constant 32 : index
    %get3A_68 = tpu.vector_load %arg13[%get3A_67] {strides = array<i32>} : memref<512xi32, #tpu.memory_space<vmem>>, vector<16xi32>,
    %mul3A_69 = arith.constant 10 : i32
    %mul3A_70 = vector.broadcast %mul3A_69 : i32 to vector<16xi32>
    %mul3A_71 = arith.muli %get3A_68, %mul3A_70 : vector<16xi32>
    %get3A_72 = arith.constant 32 : index
    %get3A_73 = tpu.vector_load %arg14[%get3A_72] {strides = array<i32>} : memref<512xi32, #tpu.memory_space<vmem>>, vector<16xi32>,
    %add3A_74 = arith.addi %mul3A_71, %get3A_73 : vector<16xi32>
    %swap3A_75 = arith.constant 32 : index
    %swap3A_76 = tpu.vector_load %arg16[%swap3A_75] {strides = array<i32>} : memref<512xi32, #tpu.memory_space<vmem>>, vector<16xi32>,
    tpu.vector_store %arg16[%swap3A_75], %add3A_74 {strides = array<i32>} : memref<512xi32, #tpu.memory_space<vmem>>, vector<16xi32>,
    %get3A_77 = arith.constant 48 : index
    %get3A_78 = tpu.vector_load %arg11[%get3A_77] {strides = array<i32>} : memref<512xi32, #tpu.memory_space<vmem>>, vector<16xi32>,
    %mul3A_79 = arith.constant 10 : i32
    %mul3A_80 = vector.broadcast %mul3A_79 : i32 to vector<16xi32>
    %mul3A_81 = arith.muli %get3A_78, %mul3A_80 : vector<16xi32>
    %get3A_82 = arith.constant 48 : index
    %get3A_83 = tpu.vector_load %arg12[%get3A_82] {strides = array<i32>} : memref<512xi32, #tpu.memory_space<vmem>>, vector<16xi32>,
    %add3A_84 = arith.addi %mul3A_81, %get3A_83 : vector<16xi32>
    %swap3A_85 = arith.constant 48 : index
    %swap3A_86 = tpu.vector_load %arg15[%swap3A_85] {strides = array<i32>} : memref<512xi32, #tpu.memory_space<vmem>>, vector<16xi32>,
    tpu.vector_store %arg15[%swap3A_85], %add3A_84 {strides = array<i32>} : memref<512xi32, #tpu.memory_space<vmem>>, vector<16xi32>,
    %get3A_87 = arith.constant 48 : index
    %get3A_88 = tpu.vector_load %arg13[%get3A_87] {strides = array<i32>} : memref<512xi32, #tpu.memory_space<vmem>>, vector<16xi32>,
    %mul3A_89 = arith.constant 10 : i32
    %mul3A_90 = vector.broadcast %mul3A_89 : i32 to vector<16xi32>
    %mul3A_91 = arith.muli %get3A_88, %mul3A_90 : vector<16xi32>
    %get3A_92 = arith.constant 48 : index
    %get3A_93 = tpu.vector_load %arg14[%get3A_92] {strides = array<i32>} : memref<512xi32, #tpu.memory_space<vmem>>, vector<16xi32>,
    %add3A_94 = arith.addi %mul3A_91, %get3A_93 : vector<16xi32>
    %swap3A_95 = arith.constant 48 : index
    %swap3A_96 = tpu.vector_load %arg16[%swap3A_95] {strides = array<i32>} : memref<512xi32, #tpu.memory_space<vmem>>, vector<16xi32>,
    tpu.vector_store %arg16[%swap3A_95], %add3A_94 {strides = array<i32>} : memref<512xi32, #tpu.memory_space<vmem>>, vector<16xi32>,
    %get3A_97 = arith.constant 64 : index
    %get3A_98 = tpu.vector_load %arg11[%get3A_97] {strides = array<i32>} : memref<512xi32, #tpu.memory_space<vmem>>, vector<16xi32>,
    %mul3A_99 = arith.constant 10 : i32
    %mul3A_100 = vector.broadcast %mul3A_99 : i32 to vector<16xi32>
    %mul3A_101 = arith.muli %get3A_98, %mul3A_100 : vector<16xi32>
    %get3A_102 = arith.constant 64 : index
    %get3A_103 = tpu.vector_load %arg12[%get3A_102] {strides = array<i32>} : memref<512xi32, #tpu.memory_space<vmem>>, vector<16xi32>,
    %add3A_104 = arith.addi %mul3A_101, %get3A_103 : vector<16xi32>
    %swap3A_105 = arith.constant 64 : index
    %swap3A_106 = tpu.vector_load %arg15[%swap3A_105] {strides = array<i32>} : memref<512xi32, #tpu.memory_space<vmem>>, vector<16xi32>,
    tpu.vector_store %arg15[%swap3A_105], %add3A_104 {strides = array<i32>} : memref<512xi32, #tpu.memory_space<vmem>>, vector<16xi32>,
    %get3A_107 = arith.constant 64 : index
    %get3A_108 = tpu.vector_load %arg13[%get3A_107] {strides = array<i32>} : memref<512xi32, #tpu.memory_space<vmem>>, vector<16xi32>,
    %mul3A_109 = arith.constant 10 : i32
    %mul3A_110 = vector.broadcast %mul3A_109 : i32 to vector<16xi32>
    %mul3A_111 = arith.muli %get3A_108, %mul3A_110 : vector<16xi32>
    %get3A_112 = arith.constant 64 : index
    %get3A_113 = tpu.vector_load %arg14[%get3A_112] {strides = array<i32>} : memref<512xi32, #tpu.memory_space<vmem>>, vector<16xi32>,
    %add3A_114 = arith.addi %mul3A_111, %get3A_113 : vector<16xi32>
    %swap3A_115 = arith.constant 64 : index
    %swap3A_116 = tpu.vector_load %arg16[%swap3A_115] {strides = array<i32>} : memref<512xi32, #tpu.memory_space<vmem>>, vector<16xi32>,
    tpu.vector_store %arg16[%swap3A_115], %add3A_114 {strides = array<i32>} : memref<512xi32, #tpu.memory_space<vmem>>, vector<16xi32>,
    %get3A_117 = arith.constant 80 : index
    %get3A_118 = tpu.vector_load %arg11[%get3A_117] {strides = array<i32>} : memref<512xi32, #tpu.memory_space<vmem>>, vector<16xi32>,
    %mul3A_119 = arith.constant 10 : i32
    %mul3A_120 = vector.broadcast %mul3A_119 : i32 to vector<16xi32>
    %mul3A_121 = arith.muli %get3A_118, %mul3A_120 : vector<16xi32>
    %get3A_122 = arith.constant 80 : index
    %get3A_123 = tpu.vector_load %arg12[%get3A_122] {strides = array<i32>} : memref<512xi32, #tpu.memory_space<vmem>>, vector<16xi32>,
    %add3A_124 = arith.addi %mul3A_121, %get3A_123 : vector<16xi32>
    %swap3A_125 = arith.constant 80 : index
    %swap3A_126 = tpu.vector_load %arg15[%swap3A_125] {strides = array<i32>} : memref<512xi32, #tpu.memory_space<vmem>>, vector<16xi32>,
    tpu.vector_store %arg15[%swap3A_125], %add3A_124 {strides = array<i32>} : memref<512xi32, #tpu.memory_space<vmem>>, vector<16xi32>,
    %get3A_127 = arith.constant 80 : index
    %get3A_128 = tpu.vector_load %arg13[%get3A_127] {strides = array<i32>} : memref<512xi32, #tpu.memory_space<vmem>>, vector<16xi32>,
    %mul3A_129 = arith.constant 10 : i32
    %mul3A_130 = vector.broadcast %mul3A_129 : i32 to vector<16xi32>
    %mul3A_131 = arith.muli %get3A_128, %mul3A_130 : vector<16xi32>
    %get3A_132 = arith.constant 80 : index
    %get3A_133 = tpu.vector_load %arg14[%get3A_132] {strides = array<i32>} : memref<512xi32, #tpu.memory_space<vmem>>, vector<16xi32>,
    %add3A_134 = arith.addi %mul3A_131, %get3A_133 : vector<16xi32>
    %swap3A_135 = arith.constant 80 : index
    %swap3A_136 = tpu.vector_load %arg16[%swap3A_135] {strides = array<i32>} : memref<512xi32, #tpu.memory_space<vmem>>, vector<16xi32>,
    tpu.vector_store %arg16[%swap3A_135], %add3A_134 {strides = array<i32>} : memref<512xi32, #tpu.memory_space<vmem>>, vector<16xi32>,
    %get3A_137 = arith.constant 96 : index
    %get3A_138 = tpu.vector_load %arg11[%get3A_137] {strides = array<i32>} : memref<512xi32, #tpu.memory_space<vmem>>, vector<16xi32>,
    %mul3A_139 = arith.constant 10 : i32
    %mul3A_140 = vector.broadcast %mul3A_139 : i32 to vector<16xi32>
    %mul3A_141 = arith.muli %get3A_138, %mul3A_140 : vector<16xi32>
    %get3A_142 = arith.constant 96 : index
    %get3A_143 = tpu.vector_load %arg12[%get3A_142] {strides = array<i32>} : memref<512xi32, #tpu.memory_space<vmem>>, vector<16xi32>,
    %add3A_144 = arith.addi %mul3A_141, %get3A_143 : vector<16xi32>
    %swap3A_145 = arith.constant 96 : index
    %swap3A_146 = tpu.vector_load %arg15[%swap3A_145] {strides = array<i32>} : memref<512xi32, #tpu.memory_space<vmem>>, vector<16xi32>,
    tpu.vector_store %arg15[%swap3A_145], %add3A_144 {strides = array<i32>} : memref<512xi32, #tpu.memory_space<vmem>>, vector<16xi32>,
    %get3A_147 = arith.constant 96 : index
    %get3A_148 = tpu.vector_load %arg13[%get3A_147] {strides = array<i32>} : memref<512xi32, #tpu.memory_space<vmem>>, vector<16xi32>,
    %mul3A_149 = arith.constant 10 : i32
    %mul3A_150 = vector.broadcast %mul3A_149 : i32 to vector<16xi32>
    %mul3A_151 = arith.muli %get3A_148, %mul3A_150 : vector<16xi32>
    %get3A_152 = arith.constant 96 : index
    %get3A_153 = tpu.vector_load %arg14[%get3A_152] {strides = array<i32>} : memref<512xi32, #tpu.memory_space<vmem>>, vector<16xi32>,
    %add3A_154 = arith.addi %mul3A_151, %get3A_153 : vector<16xi32>
    %swap3A_155 = arith.constant 96 : index
    %swap3A_156 = tpu.vector_load %arg16[%swap3A_155] {strides = array<i32>} : memref<512xi32, #tpu.memory_space<vmem>>, vector<16xi32>,
    tpu.vector_store %arg16[%swap3A_155], %add3A_154 {strides = array<i32>} : memref<512xi32, #tpu.memory_space<vmem>>, vector<16xi32>,
    %get3A_157 = arith.constant 112 : index
    %get3A_158 = tpu.vector_load %arg11[%get3A_157] {strides = array<i32>} : memref<512xi32, #tpu.memory_space<vmem>>, vector<16xi32>,
    %mul3A_159 = arith.constant 10 : i32
    %mul3A_160 = vector.broadcast %mul3A_159 : i32 to vector<16xi32>
    %mul3A_161 = arith.muli %get3A_158, %mul3A_160 : vector<16xi32>
    %get3A_162 = arith.constant 112 : index
    %get3A_163 = tpu.vector_load %arg12[%get3A_162] {strides = array<i32>} : memref<512xi32, #tpu.memory_space<vmem>>, vector<16xi32>,
    %add3A_164 = arith.addi %mul3A_161, %get3A_163 : vector<16xi32>
    %swap3A_165 = arith.constant 112 : index
    %swap3A_166 = tpu.vector_load %arg15[%swap3A_165] {strides = array<i32>} : memref<512xi32, #tpu.memory_space<vmem>>, vector<16xi32>,
    tpu.vector_store %arg15[%swap3A_165], %add3A_164 {strides = array<i32>} : memref<512xi32, #tpu.memory_space<vmem>>, vector<16xi32>,
    %get3A_167 = arith.constant 112 : index
    %get3A_168 = tpu.vector_load %arg13[%get3A_167] {strides = array<i32>} : memref<512xi32, #tpu.memory_space<vmem>>, vector<16xi32>,
    %mul3A_169 = arith.constant 10 : i32
    %mul3A_170 = vector.broadcast %mul3A_169 : i32 to vector<16xi32>
    %mul3A_171 = arith.muli %get3A_168, %mul3A_170 : vector<16xi32>
    %get3A_172 = arith.constant 112 : index
    %get3A_173 = tpu.vector_load %arg14[%get3A_172] {strides = array<i32>} : memref<512xi32, #tpu.memory_space<vmem>>, vector<16xi32>,
    %add3A_174 = arith.addi %mul3A_171, %get3A_173 : vector<16xi32>
    %swap3A_175 = arith.constant 112 : index
    %swap3A_176 = tpu.vector_load %arg16[%swap3A_175] {strides = array<i32>} : memref<512xi32, #tpu.memory_space<vmem>>, vector<16xi32>,
    tpu.vector_store %arg16[%swap3A_175], %add3A_174 {strides = array<i32>} : memref<512xi32, #tpu.memory_space<vmem>>, vector<16xi32>,
    %get3A_177 = arith.constant 128 : index
    %get3A_178 = tpu.vector_load %arg11[%get3A_177] {strides = array<i32>} : memref<512xi32, #tpu.memory_space<vmem>>, vector<16xi32>,
    %mul3A_179 = arith.constant 10 : i32
    %mul3A_180 = vector.broadcast %mul3A_179 : i32 to vector<16xi32>
    %mul3A_181 = arith.muli %get3A_178, %mul3A_180 : vector<16xi32>
    %get3A_182 = arith.constant 128 : index
    %get3A_183 = tpu.vector_load %arg12[%get3A_182] {strides = array<i32>} : memref<512xi32, #tpu.memory_space<vmem>>, vector<16xi32>,
    %add3A_184 = arith.addi %mul3A_181, %get3A_183 : vector<16xi32>
    %swap3A_185 = arith.constant 128 : index
    %swap3A_186 = tpu.vector_load %arg15[%swap3A_185] {strides = array<i32>} : memref<512xi32, #tpu.memory_space<vmem>>, vector<16xi32>,
    tpu.vector_store %arg15[%swap3A_185], %add3A_184 {strides = array<i32>} : memref<512xi32, #tpu.memory_space<vmem>>, vector<16xi32>,
    %get3A_187 = arith.constant 128 : index
    %get3A_188 = tpu.vector_load %arg13[%get3A_187] {strides = array<i32>} : memref<512xi32, #tpu.memory_space<vmem>>, vector<16xi32>,
    %mul3A_189 = arith.constant 10 : i32
    %mul3A_190 = vector.broadcast %mul3A_189 : i32 to vector<16xi32>
    %mul3A_191 = arith.muli %get3A_188, %mul3A_190 : vector<16xi32>
    %get3A_192 = arith.constant 128 : index
    %get3A_193 = tpu.vector_load %arg14[%get3A_192] {strides = array<i32>} : memref<512xi32, #tpu.memory_space<vmem>>, vector<16xi32>,
    %add3A_194 = arith.addi %mul3A_191, %get3A_193 : vector<16xi32>
    %swap3A_195 = arith.constant 128 : index
    %swap3A_196 = tpu.vector_load %arg16[%swap3A_195] {strides = array<i32>} : memref<512xi32, #tpu.memory_space<vmem>>, vector<16xi32>,
    tpu.vector_store %arg16[%swap3A_195], %add3A_194 {strides = array<i32>} : memref<512xi32, #tpu.memory_space<vmem>>, vector<16xi32>,
    %get3A_197 = arith.constant 144 : index
    %get3A_198 = tpu.vector_load %arg11[%get3A_197] {strides = array<i32>} : memref<512xi32, #tpu.memory_space<vmem>>, vector<16xi32>,
    %mul3A_199 = arith.constant 10 : i32
    %mul3A_200 = vector.broadcast %mul3A_199 : i32 to vector<16xi32>
    %mul3A_201 = arith.muli %get3A_198, %mul3A_200 : vector<16xi32>
    %get3A_202 = arith.constant 144 : index
    %get3A_203 = tpu.vector_load %arg12[%get3A_202] {strides = array<i32>} : memref<512xi32, #tpu.memory_space<vmem>>, vector<16xi32>,
    %add3A_204 = arith.addi %mul3A_201, %get3A_203 : vector<16xi32>
    %swap3A_205 = arith.constant 144 : index
    %swap3A_206 = tpu.vector_load %arg15[%swap3A_205] {strides = array<i32>} : memref<512xi32, #tpu.memory_space<vmem>>, vector<16xi32>,
    tpu.vector_store %arg15[%swap3A_205], %add3A_204 {strides = array<i32>} : memref<512xi32, #tpu.memory_space<vmem>>, vector<16xi32>,
    %get3A_207 = arith.constant 144 : index
    %get3A_208 = tpu.vector_load %arg13[%get3A_207] {strides = array<i32>} : memref<512xi32, #tpu.memory_space<vmem>>, vector<16xi32>,
    %mul3A_209 = arith.constant 10 : i32
    %mul3A_210 = vector.broadcast %mul3A_209 : i32 to vector<16xi32>
    %mul3A_211 = arith.muli %get3A_208, %mul3A_210 : vector<16xi32>
    %get3A_212 = arith.constant 144 : index
    %get3A_213 = tpu.vector_load %arg14[%get3A_212] {strides = array<i32>} : memref<512xi32, #tpu.memory_space<vmem>>, vector<16xi32>,
    %add3A_214 = arith.addi %mul3A_211, %get3A_213 : vector<16xi32>
    %swap3A_215 = arith.constant 144 : index
    %swap3A_216 = tpu.vector_load %arg16[%swap3A_215] {strides = array<i32>} : memref<512xi32, #tpu.memory_space<vmem>>, vector<16xi32>,
    tpu.vector_store %arg16[%swap3A_215], %add3A_214 {strides = array<i32>} : memref<512xi32, #tpu.memory_space<vmem>>, vector<16xi32>,
    %get3A_217 = arith.constant 160 : index
    %get3A_218 = tpu.vector_load %arg11[%get3A_217] {strides = array<i32>} : memref<512xi32, #tpu.memory_space<vmem>>, vector<16xi32>,
    %mul3A_219 = arith.constant 10 : i32
    %mul3A_220 = vector.broadcast %mul3A_219 : i32 to vector<16xi32>
    %mul3A_221 = arith.muli %get3A_218, %mul3A_220 : vector<16xi32>
    %get3A_222 = arith.constant 160 : index
    %get3A_223 = tpu.vector_load %arg12[%get3A_222] {strides = array<i32>} : memref<512xi32, #tpu.memory_space<vmem>>, vector<16xi32>,
    %add3A_224 = arith.addi %mul3A_221, %get3A_223 : vector<16xi32>
    %swap3A_225 = arith.constant 160 : index
    %swap3A_226 = tpu.vector_load %arg15[%swap3A_225] {strides = array<i32>} : memref<512xi32, #tpu.memory_space<vmem>>, vector<16xi32>,
    tpu.vector_store %arg15[%swap3A_225], %add3A_224 {strides = array<i32>} : memref<512xi32, #tpu.memory_space<vmem>>, vector<16xi32>,
    %get3A_227 = arith.constant 160 : index
    %get3A_228 = tpu.vector_load %arg13[%get3A_227] {strides = array<i32>} : memref<512xi32, #tpu.memory_space<vmem>>, vector<16xi32>,
    %mul3A_229 = arith.constant 10 : i32
    %mul3A_230 = vector.broadcast %mul3A_229 : i32 to vector<16xi32>
    %mul3A_231 = arith.muli %get3A_228, %mul3A_230 : vector<16xi32>
    %get3A_232 = arith.constant 160 : index
    %get3A_233 = tpu.vector_load %arg14[%get3A_232] {strides = array<i32>} : memref<512xi32, #tpu.memory_space<vmem>>, vector<16xi32>,
    %add3A_234 = arith.addi %mul3A_231, %get3A_233 : vector<16xi32>
    %swap3A_235 = arith.constant 160 : index
    %swap3A_236 = tpu.vector_load %arg16[%swap3A_235] {strides = array<i32>} : memref<512xi32, #tpu.memory_space<vmem>>, vector<16xi32>,
    tpu.vector_store %arg16[%swap3A_235], %add3A_234 {strides = array<i32>} : memref<512xi32, #tpu.memory_space<vmem>>, vector<16xi32>,
    %get3A_237 = arith.constant 176 : index
    %get3A_238 = tpu.vector_load %arg11[%get3A_237] {strides = array<i32>} : memref<512xi32, #tpu.memory_space<vmem>>, vector<16xi32>,
    %mul3A_239 = arith.constant 10 : i32
    %mul3A_240 = vector.broadcast %mul3A_239 : i32 to vector<16xi32>
    %mul3A_241 = arith.muli %get3A_238, %mul3A_240 : vector<16xi32>
    %get3A_242 = arith.constant 176 : index
    %get3A_243 = tpu.vector_load %arg12[%get3A_242] {strides = array<i32>} : memref<512xi32, #tpu.memory_space<vmem>>, vector<16xi32>,
    %add3A_244 = arith.addi %mul3A_241, %get3A_243 : vector<16xi32>
    %swap3A_245 = arith.constant 176 : index
    %swap3A_246 = tpu.vector_load %arg15[%swap3A_245] {strides = array<i32>} : memref<512xi32, #tpu.memory_space<vmem>>, vector<16xi32>,
    tpu.vector_store %arg15[%swap3A_245], %add3A_244 {strides = array<i32>} : memref<512xi32, #tpu.memory_space<vmem>>, vector<16xi32>,
    %get3A_247 = arith.constant 176 : index
    %get3A_248 = tpu.vector_load %arg13[%get3A_247] {strides = array<i32>} : memref<512xi32, #tpu.memory_space<vmem>>, vector<16xi32>,
    %mul3A_249 = arith.constant 10 : i32
    %mul3A_250 = vector.broadcast %mul3A_249 : i32 to vector<16xi32>
    %mul3A_251 = arith.muli %get3A_248, %mul3A_250 : vector<16xi32>
    %get3A_252 = arith.constant 176 : index
    %get3A_253 = tpu.vector_load %arg14[%get3A_252] {strides = array<i32>} : memref<512xi32, #tpu.memory_space<vmem>>, vector<16xi32>,
    %add3A_254 = arith.addi %mul3A_251, %get3A_253 : vector<16xi32>
    %swap3A_255 = arith.constant 176 : index
    %swap3A_256 = tpu.vector_load %arg16[%swap3A_255] {strides = array<i32>} : memref<512xi32, #tpu.memory_space<vmem>>, vector<16xi32>,
    tpu.vector_store %arg16[%swap3A_255], %add3A_254 {strides = array<i32>} : memref<512xi32, #tpu.memory_space<vmem>>, vector<16xi32>,
    %get3A_257 = arith.constant 192 : index
    %get3A_258 = tpu.vector_load %arg11[%get3A_257] {strides = array<i32>} : memref<512xi32, #tpu.memory_space<vmem>>, vector<16xi32>,
    %mul3A_259 = arith.constant 10 : i32
    %mul3A_260 = vector.broadcast %mul3A_259 : i32 to vector<16xi32>
    %mul3A_261 = arith.muli %get3A_258, %mul3A_260 : vector<16xi32>
    %get3A_262 = arith.constant 192 : index
    %get3A_263 = tpu.vector_load %arg12[%get3A_262] {strides = array<i32>} : memref<512xi32, #tpu.memory_space<vmem>>, vector<16xi32>,
    %add3A_264 = arith.addi %mul3A_261, %get3A_263 : vector<16xi32>
    %swap3A_265 = arith.constant 192 : index
    %swap3A_266 = tpu.vector_load %arg15[%swap3A_265] {strides = array<i32>} : memref<512xi32, #tpu.memory_space<vmem>>, vector<16xi32>,
    tpu.vector_store %arg15[%swap3A_265], %add3A_264 {strides = array<i32>} : memref<512xi32, #tpu.memory_space<vmem>>, vector<16xi32>,
    %get3A_267 = arith.constant 192 : index
    %get3A_268 = tpu.vector_load %arg13[%get3A_267] {strides = array<i32>} : memref<512xi32, #tpu.memory_space<vmem>>, vector<16xi32>,
    %mul3A_269 = arith.constant 10 : i32
    %mul3A_270 = vector.broadcast %mul3A_269 : i32 to vector<16xi32>
    %mul3A_271 = arith.muli %get3A_268, %mul3A_270 : vector<16xi32>
    %get3A_272 = arith.constant 192 : index
    %get3A_273 = tpu.vector_load %arg14[%get3A_272] {strides = array<i32>} : memref<512xi32, #tpu.memory_space<vmem>>, vector<16xi32>,
    %add3A_274 = arith.addi %mul3A_271, %get3A_273 : vector<16xi32>
    %swap3A_275 = arith.constant 192 : index
    %swap3A_276 = tpu.vector_load %arg16[%swap3A_275] {strides = array<i32>} : memref<512xi32, #tpu.memory_space<vmem>>, vector<16xi32>,
    tpu.vector_store %arg16[%swap3A_275], %add3A_274 {strides = array<i32>} : memref<512xi32, #tpu.memory_space<vmem>>, vector<16xi32>,
    %get3A_277 = arith.constant 208 : index
    %get3A_278 = tpu.vector_load %arg11[%get3A_277] {strides = array<i32>} : memref<512xi32, #tpu.memory_space<vmem>>, vector<16xi32>,
    %mul3A_279 = arith.constant 10 : i32
    %mul3A_280 = vector.broadcast %mul3A_279 : i32 to vector<16xi32>
    %mul3A_281 = arith.muli %get3A_278, %mul3A_280 : vector<16xi32>
    %get3A_282 = arith.constant 208 : index
    %get3A_283 = tpu.vector_load %arg12[%get3A_282] {strides = array<i32>} : memref<512xi32, #tpu.memory_space<vmem>>, vector<16xi32>,
    %add3A_284 = arith.addi %mul3A_281, %get3A_283 : vector<16xi32>
    %swap3A_285 = arith.constant 208 : index
    %swap3A_286 = tpu.vector_load %arg15[%swap3A_285] {strides = array<i32>} : memref<512xi32, #tpu.memory_space<vmem>>, vector<16xi32>,
    tpu.vector_store %arg15[%swap3A_285], %add3A_284 {strides = array<i32>} : memref<512xi32, #tpu.memory_space<vmem>>, vector<16xi32>,
    %get3A_287 = arith.constant 208 : index
    %get3A_288 = tpu.vector_load %arg13[%get3A_287] {strides = array<i32>} : memref<512xi32, #tpu.memory_space<vmem>>, vector<16xi32>,
    %mul3A_289 = arith.constant 10 : i32
    %mul3A_290 = vector.broadcast %mul3A_289 : i32 to vector<16xi32>
    %mul3A_291 = arith.muli %get3A_288, %mul3A_290 : vector<16xi32>
    %get3A_292 = arith.constant 208 : index
    %get3A_293 = tpu.vector_load %arg14[%get3A_292] {strides = array<i32>} : memref<512xi32, #tpu.memory_space<vmem>>, vector<16xi32>,
    %add3A_294 = arith.addi %mul3A_291, %get3A_293 : vector<16xi32>
    %swap3A_295 = arith.constant 208 : index
    %swap3A_296 = tpu.vector_load %arg16[%swap3A_295] {strides = array<i32>} : memref<512xi32, #tpu.memory_space<vmem>>, vector<16xi32>,
    tpu.vector_store %arg16[%swap3A_295], %add3A_294 {strides = array<i32>} : memref<512xi32, #tpu.memory_space<vmem>>, vector<16xi32>,
    %get3A_297 = arith.constant 224 : index
    %get3A_298 = tpu.vector_load %arg11[%get3A_297] {strides = array<i32>} : memref<512xi32, #tpu.memory_space<vmem>>, vector<16xi32>,
    %mul3A_299 = arith.constant 10 : i32
    %mul3A_300 = vector.broadcast %mul3A_299 : i32 to vector<16xi32>
    %mul3A_301 = arith.muli %get3A_298, %mul3A_300 : vector<16xi32>
    %get3A_302 = arith.constant 224 : index
    %get3A_303 = tpu.vector_load %arg12[%get3A_302] {strides = array<i32>} : memref<512xi32, #tpu.memory_space<vmem>>, vector<16xi32>,
    %add3A_304 = arith.addi %mul3A_301, %get3A_303 : vector<16xi32>
    %swap3A_305 = arith.constant 224 : index
    %swap3A_306 = tpu.vector_load %arg15[%swap3A_305] {strides = array<i32>} : memref<512xi32, #tpu.memory_space<vmem>>, vector<16xi32>,
    tpu.vector_store %arg15[%swap3A_305], %add3A_304 {strides = array<i32>} : memref<512xi32, #tpu.memory_space<vmem>>, vector<16xi32>,
    %get3A_307 = arith.constant 224 : index
    %get3A_308 = tpu.vector_load %arg13[%get3A_307] {strides = array<i32>} : memref<512xi32, #tpu.memory_space<vmem>>, vector<16xi32>,
    %mul3A_309 = arith.constant 10 : i32
    %mul3A_310 = vector.broadcast %mul3A_309 : i32 to vector<16xi32>
    %mul3A_311 = arith.muli %get3A_308, %mul3A_310 : vector<16xi32>
    %get3A_312 = arith.constant 224 : index
    %get3A_313 = tpu.vector_load %arg14[%get3A_312] {strides = array<i32>} : memref<512xi32, #tpu.memory_space<vmem>>, vector<16xi32>,
    %add3A_314 = arith.addi %mul3A_311, %get3A_313 : vector<16xi32>
    %swap3A_315 = arith.constant 224 : index
    %swap3A_316 = tpu.vector_load %arg16[%swap3A_315] {strides = array<i32>} : memref<512xi32, #tpu.memory_space<vmem>>, vector<16xi32>,
    tpu.vector_store %arg16[%swap3A_315], %add3A_314 {strides = array<i32>} : memref<512xi32, #tpu.memory_space<vmem>>, vector<16xi32>,
    %get3A_317 = arith.constant 240 : index
    %get3A_318 = tpu.vector_load %arg11[%get3A_317] {strides = array<i32>} : memref<512xi32, #tpu.memory_space<vmem>>, vector<16xi32>,
    %mul3A_319 = arith.constant 10 : i32
    %mul3A_320 = vector.broadcast %mul3A_319 : i32 to vector<16xi32>
    %mul3A_321 = arith.muli %get3A_318, %mul3A_320 : vector<16xi32>
    %get3A_322 = arith.constant 240 : index
    %get3A_323 = tpu.vector_load %arg12[%get3A_322] {strides = array<i32>} : memref<512xi32, #tpu.memory_space<vmem>>, vector<16xi32>,
    %add3A_324 = arith.addi %mul3A_321, %get3A_323 : vector<16xi32>
    %swap3A_325 = arith.constant 240 : index
    %swap3A_326 = tpu.vector_load %arg15[%swap3A_325] {strides = array<i32>} : memref<512xi32, #tpu.memory_space<vmem>>, vector<16xi32>,
    tpu.vector_store %arg15[%swap3A_325], %add3A_324 {strides = array<i32>} : memref<512xi32, #tpu.memory_space<vmem>>, vector<16xi32>,
    %get3A_327 = arith.constant 240 : index
    %get3A_328 = tpu.vector_load %arg13[%get3A_327] {strides = array<i32>} : memref<512xi32, #tpu.memory_space<vmem>>, vector<16xi32>,
    %mul3A_329 = arith.constant 10 : i32
    %mul3A_330 = vector.broadcast %mul3A_329 : i32 to vector<16xi32>
    %mul3A_331 = arith.muli %get3A_328, %mul3A_330 : vector<16xi32>
    %get3A_332 = arith.constant 240 : index
    %get3A_333 = tpu.vector_load %arg14[%get3A_332] {strides = array<i32>} : memref<512xi32, #tpu.memory_space<vmem>>, vector<16xi32>,
    %add3A_334 = arith.addi %mul3A_331, %get3A_333 : vector<16xi32>
    %swap3A_335 = arith.constant 240 : index
    %swap3A_336 = tpu.vector_load %arg16[%swap3A_335] {strides = array<i32>} : memref<512xi32, #tpu.memory_space<vmem>>, vector<16xi32>,
    tpu.vector_store %arg16[%swap3A_335], %add3A_334 {strides = array<i32>} : memref<512xi32, #tpu.memory_space<vmem>>, vector<16xi32>,
    %get3A_337 = arith.constant 256 : index
    %get3A_338 = tpu.vector_load %arg11[%get3A_337] {strides = array<i32>} : memref<512xi32, #tpu.memory_space<vmem>>, vector<16xi32>,
    %mul3A_339 = arith.constant 10 : i32
    %mul3A_340 = vector.broadcast %mul3A_339 : i32 to vector<16xi32>
    %mul3A_341 = arith.muli %get3A_338, %mul3A_340 : vector<16xi32>
    %get3A_342 = arith.constant 256 : index
    %get3A_343 = tpu.vector_load %arg12[%get3A_342] {strides = array<i32>} : memref<512xi32, #tpu.memory_space<vmem>>, vector<16xi32>,
    %add3A_344 = arith.addi %mul3A_341, %get3A_343 : vector<16xi32>
    %swap3A_345 = arith.constant 256 : index
    %swap3A_346 = tpu.vector_load %arg15[%swap3A_345] {strides = array<i32>} : memref<512xi32, #tpu.memory_space<vmem>>, vector<16xi32>,
    tpu.vector_store %arg15[%swap3A_345], %add3A_344 {strides = array<i32>} : memref<512xi32, #tpu.memory_space<vmem>>, vector<16xi32>,
    %get3A_347 = arith.constant 256 : index
    %get3A_348 = tpu.vector_load %arg13[%get3A_347] {strides = array<i32>} : memref<512xi32, #tpu.memory_space<vmem>>, vector<16xi32>,
    %mul3A_349 = arith.constant 10 : i32
    %mul3A_350 = vector.broadcast %mul3A_349 : i32 to vector<16xi32>
    %mul3A_351 = arith.muli %get3A_348, %mul3A_350 : vector<16xi32>
    %get3A_352 = arith.constant 256 : index
    %get3A_353 = tpu.vector_load %arg14[%get3A_352] {strides = array<i32>} : memref<512xi32, #tpu.memory_space<vmem>>, vector<16xi32>,
    %add3A_354 = arith.addi %mul3A_351, %get3A_353 : vector<16xi32>
    %swap3A_355 = arith.constant 256 : index
    %swap3A_356 = tpu.vector_load %arg16[%swap3A_355] {strides = array<i32>} : memref<512xi32, #tpu.memory_space<vmem>>, vector<16xi32>,
    tpu.vector_store %arg16[%swap3A_355], %add3A_354 {strides = array<i32>} : memref<512xi32, #tpu.memory_space<vmem>>, vector<16xi32>,
    %get3A_357 = arith.constant 272 : index
    %get3A_358 = tpu.vector_load %arg11[%get3A_357] {strides = array<i32>} : memref<512xi32, #tpu.memory_space<vmem>>, vector<16xi32>,
    %mul3A_359 = arith.constant 10 : i32
    %mul3A_360 = vector.broadcast %mul3A_359 : i32 to vector<16xi32>
    %mul3A_361 = arith.muli %get3A_358, %mul3A_360 : vector<16xi32>
    %get3A_362 = arith.constant 272 : index
    %get3A_363 = tpu.vector_load %arg12[%get3A_362] {strides = array<i32>} : memref<512xi32, #tpu.memory_space<vmem>>, vector<16xi32>,
    %add3A_364 = arith.addi %mul3A_361, %get3A_363 : vector<16xi32>
    %swap3A_365 = arith.constant 272 : index
    %swap3A_366 = tpu.vector_load %arg15[%swap3A_365] {strides = array<i32>} : memref<512xi32, #tpu.memory_space<vmem>>, vector<16xi32>,
    tpu.vector_store %arg15[%swap3A_365], %add3A_364 {strides = array<i32>} : memref<512xi32, #tpu.memory_space<vmem>>, vector<16xi32>,
    %get3A_367 = arith.constant 272 : index
    %get3A_368 = tpu.vector_load %arg13[%get3A_367] {strides = array<i32>} : memref<512xi32, #tpu.memory_space<vmem>>, vector<16xi32>,
    %mul3A_369 = arith.constant 10 : i32
    %mul3A_370 = vector.broadcast %mul3A_369 : i32 to vector<16xi32>
    %mul3A_371 = arith.muli %get3A_368, %mul3A_370 : vector<16xi32>
    %get3A_372 = arith.constant 272 : index
    %get3A_373 = tpu.vector_load %arg14[%get3A_372] {strides = array<i32>} : memref<512xi32, #tpu.memory_space<vmem>>, vector<16xi32>,
    %add3A_374 = arith.addi %mul3A_371, %get3A_373 : vector<16xi32>
    %swap3A_375 = arith.constant 272 : index
    %swap3A_376 = tpu.vector_load %arg16[%swap3A_375] {strides = array<i32>} : memref<512xi32, #tpu.memory_space<vmem>>, vector<16xi32>,
    tpu.vector_store %arg16[%swap3A_375], %add3A_374 {strides = array<i32>} : memref<512xi32, #tpu.memory_space<vmem>>, vector<16xi32>,
    %get3A_377 = arith.constant 288 : index
    %get3A_378 = tpu.vector_load %arg11[%get3A_377] {strides = array<i32>} : memref<512xi32, #tpu.memory_space<vmem>>, vector<16xi32>,
    %mul3A_379 = arith.constant 10 : i32
    %mul3A_380 = vector.broadcast %mul3A_379 : i32 to vector<16xi32>
    %mul3A_381 = arith.muli %get3A_378, %mul3A_380 : vector<16xi32>
    %get3A_382 = arith.constant 288 : index
    %get3A_383 = tpu.vector_load %arg12[%get3A_382] {strides = array<i32>} : memref<512xi32, #tpu.memory_space<vmem>>, vector<16xi32>,
    %add3A_384 = arith.addi %mul3A_381, %get3A_383 : vector<16xi32>
    %swap3A_385 = arith.constant 288 : index
    %swap3A_386 = tpu.vector_load %arg15[%swap3A_385] {strides = array<i32>} : memref<512xi32, #tpu.memory_space<vmem>>, vector<16xi32>,
    tpu.vector_store %arg15[%swap3A_385], %add3A_384 {strides = array<i32>} : memref<512xi32, #tpu.memory_space<vmem>>, vector<16xi32>,
    %get3A_387 = arith.constant 288 : index
    %get3A_388 = tpu.vector_load %arg13[%get3A_387] {strides = array<i32>} : memref<512xi32, #tpu.memory_space<vmem>>, vector<16xi32>,
    %mul3A_389 = arith.constant 10 : i32
    %mul3A_390 = vector.broadcast %mul3A_389 : i32 to vector<16xi32>
    %mul3A_391 = arith.muli %get3A_388, %mul3A_390 : vector<16xi32>
    %get3A_392 = arith.constant 288 : index
    %get3A_393 = tpu.vector_load %arg14[%get3A_392] {strides = array<i32>} : memref<512xi32, #tpu.memory_space<vmem>>, vector<16xi32>,
    %add3A_394 = arith.addi %mul3A_391, %get3A_393 : vector<16xi32>
    %swap3A_395 = arith.constant 288 : index
    %swap3A_396 = tpu.vector_load %arg16[%swap3A_395] {strides = array<i32>} : memref<512xi32, #tpu.memory_space<vmem>>, vector<16xi32>,
    tpu.vector_store %arg16[%swap3A_395], %add3A_394 {strides = array<i32>} : memref<512xi32, #tpu.memory_space<vmem>>, vector<16xi32>,
    %get3A_397 = arith.constant 304 : index
    %get3A_398 = tpu.vector_load %arg11[%get3A_397] {strides = array<i32>} : memref<512xi32, #tpu.memory_space<vmem>>, vector<16xi32>,
    %mul3A_399 = arith.constant 10 : i32
    %mul3A_400 = vector.broadcast %mul3A_399 : i32 to vector<16xi32>
    %mul3A_401 = arith.muli %get3A_398, %mul3A_400 : vector<16xi32>
    %get3A_402 = arith.constant 304 : index
    %get3A_403 = tpu.vector_load %arg12[%get3A_402] {strides = array<i32>} : memref<512xi32, #tpu.memory_space<vmem>>, vector<16xi32>,
    %add3A_404 = arith.addi %mul3A_401, %get3A_403 : vector<16xi32>
    %swap3A_405 = arith.constant 304 : index
    %swap3A_406 = tpu.vector_load %arg15[%swap3A_405] {strides = array<i32>} : memref<512xi32, #tpu.memory_space<vmem>>, vector<16xi32>,
    tpu.vector_store %arg15[%swap3A_405], %add3A_404 {strides = array<i32>} : memref<512xi32, #tpu.memory_space<vmem>>, vector<16xi32>,
    %get3A_407 = arith.constant 304 : index
    %get3A_408 = tpu.vector_load %arg13[%get3A_407] {strides = array<i32>} : memref<512xi32, #tpu.memory_space<vmem>>, vector<16xi32>,
    %mul3A_409 = arith.constant 10 : i32
    %mul3A_410 = vector.broadcast %mul3A_409 : i32 to vector<16xi32>
    %mul3A_411 = arith.muli %get3A_408, %mul3A_410 : vector<16xi32>
    %get3A_412 = arith.constant 304 : index
    %get3A_413 = tpu.vector_load %arg14[%get3A_412] {strides = array<i32>} : memref<512xi32, #tpu.memory_space<vmem>>, vector<16xi32>,
    %add3A_414 = arith.addi %mul3A_411, %get3A_413 : vector<16xi32>
    %swap3A_415 = arith.constant 304 : index
    %swap3A_416 = tpu.vector_load %arg16[%swap3A_415] {strides = array<i32>} : memref<512xi32, #tpu.memory_space<vmem>>, vector<16xi32>,
    tpu.vector_store %arg16[%swap3A_415], %add3A_414 {strides = array<i32>} : memref<512xi32, #tpu.memory_space<vmem>>, vector<16xi32>,
    %get3A_417 = arith.constant 320 : index
    %get3A_418 = tpu.vector_load %arg11[%get3A_417] {strides = array<i32>} : memref<512xi32, #tpu.memory_space<vmem>>, vector<16xi32>,
    %mul3A_419 = arith.constant 10 : i32
    %mul3A_420 = vector.broadcast %mul3A_419 : i32 to vector<16xi32>
    %mul3A_421 = arith.muli %get3A_418, %mul3A_420 : vector<16xi32>
    %get3A_422 = arith.constant 320 : index
    %get3A_423 = tpu.vector_load %arg12[%get3A_422] {strides = array<i32>} : memref<512xi32, #tpu.memory_space<vmem>>, vector<16xi32>,
    %add3A_424 = arith.addi %mul3A_421, %get3A_423 : vector<16xi32>
    %swap3A_425 = arith.constant 320 : index
    %swap3A_426 = tpu.vector_load %arg15[%swap3A_425] {strides = array<i32>} : memref<512xi32, #tpu.memory_space<vmem>>, vector<16xi32>,
    tpu.vector_store %arg15[%swap3A_425], %add3A_424 {strides = array<i32>} : memref<512xi32, #tpu.memory_space<vmem>>, vector<16xi32>,
    %get3A_427 = arith.constant 320 : index
    %get3A_428 = tpu.vector_load %arg13[%get3A_427] {strides = array<i32>} : memref<512xi32, #tpu.memory_space<vmem>>, vector<16xi32>,
    %mul3A_429 = arith.constant 10 : i32
    %mul3A_430 = vector.broadcast %mul3A_429 : i32 to vector<16xi32>
    %mul3A_431 = arith.muli %get3A_428, %mul3A_430 : vector<16xi32>
    %get3A_432 = arith.constant 320 : index
    %get3A_433 = tpu.vector_load %arg14[%get3A_432] {strides = array<i32>} : memref<512xi32, #tpu.memory_space<vmem>>, vector<16xi32>,
    %add3A_434 = arith.addi %mul3A_431, %get3A_433 : vector<16xi32>
    %swap3A_435 = arith.constant 320 : index
    %swap3A_436 = tpu.vector_load %arg16[%swap3A_435] {strides = array<i32>} : memref<512xi32, #tpu.memory_space<vmem>>, vector<16xi32>,
    tpu.vector_store %arg16[%swap3A_435], %add3A_434 {strides = array<i32>} : memref<512xi32, #tpu.memory_space<vmem>>, vector<16xi32>,
    %get3A_437 = arith.constant 336 : index
    %get3A_438 = tpu.vector_load %arg11[%get3A_437] {strides = array<i32>} : memref<512xi32, #tpu.memory_space<vmem>>, vector<16xi32>,
    %mul3A_439 = arith.constant 10 : i32
    %mul3A_440 = vector.broadcast %mul3A_439 : i32 to vector<16xi32>
    %mul3A_441 = arith.muli %get3A_438, %mul3A_440 : vector<16xi32>
    %get3A_442 = arith.constant 336 : index
    %get3A_443 = tpu.vector_load %arg12[%get3A_442] {strides = array<i32>} : memref<512xi32, #tpu.memory_space<vmem>>, vector<16xi32>,
    %add3A_444 = arith.addi %mul3A_441, %get3A_443 : vector<16xi32>
    %swap3A_445 = arith.constant 336 : index
    %swap3A_446 = tpu.vector_load %arg15[%swap3A_445] {strides = array<i32>} : memref<512xi32, #tpu.memory_space<vmem>>, vector<16xi32>,
    tpu.vector_store %arg15[%swap3A_445], %add3A_444 {strides = array<i32>} : memref<512xi32, #tpu.memory_space<vmem>>, vector<16xi32>,
    %get3A_447 = arith.constant 336 : index
    %get3A_448 = tpu.vector_load %arg13[%get3A_447] {strides = array<i32>} : memref<512xi32, #tpu.memory_space<vmem>>, vector<16xi32>,
    %mul3A_449 = arith.constant 10 : i32
    %mul3A_450 = vector.broadcast %mul3A_449 : i32 to vector<16xi32>
    %mul3A_451 = arith.muli %get3A_448, %mul3A_450 : vector<16xi32>
    %get3A_452 = arith.constant 336 : index
    %get3A_453 = tpu.vector_load %arg14[%get3A_452] {strides = array<i32>} : memref<512xi32, #tpu.memory_space<vmem>>, vector<16xi32>,
    %add3A_454 = arith.addi %mul3A_451, %get3A_453 : vector<16xi32>
    %swap3A_455 = arith.constant 336 : index
    %swap3A_456 = tpu.vector_load %arg16[%swap3A_455] {strides = array<i32>} : memref<512xi32, #tpu.memory_space<vmem>>, vector<16xi32>,
    tpu.vector_store %arg16[%swap3A_455], %add3A_454 {strides = array<i32>} : memref<512xi32, #tpu.memory_space<vmem>>, vector<16xi32>,
    %get3A_457 = arith.constant 352 : index
    %get3A_458 = tpu.vector_load %arg11[%get3A_457] {strides = array<i32>} : memref<512xi32, #tpu.memory_space<vmem>>, vector<16xi32>,
    %mul3A_459 = arith.constant 10 : i32
    %mul3A_460 = vector.broadcast %mul3A_459 : i32 to vector<16xi32>
    %mul3A_461 = arith.muli %get3A_458, %mul3A_460 : vector<16xi32>
    %get3A_462 = arith.constant 352 : index
    %get3A_463 = tpu.vector_load %arg12[%get3A_462] {strides = array<i32>} : memref<512xi32, #tpu.memory_space<vmem>>, vector<16xi32>,
    %add3A_464 = arith.addi %mul3A_461, %get3A_463 : vector<16xi32>
    %swap3A_465 = arith.constant 352 : index
    %swap3A_466 = tpu.vector_load %arg15[%swap3A_465] {strides = array<i32>} : memref<512xi32, #tpu.memory_space<vmem>>, vector<16xi32>,
    tpu.vector_store %arg15[%swap3A_465], %add3A_464 {strides = array<i32>} : memref<512xi32, #tpu.memory_space<vmem>>, vector<16xi32>,
    %get3A_467 = arith.constant 352 : index
    %get3A_468 = tpu.vector_load %arg13[%get3A_467] {strides = array<i32>} : memref<512xi32, #tpu.memory_space<vmem>>, vector<16xi32>,
    %mul3A_469 = arith.constant 10 : i32
    %mul3A_470 = vector.broadcast %mul3A_469 : i32 to vector<16xi32>
    %mul3A_471 = arith.muli %get3A_468, %mul3A_470 : vector<16xi32>
    %get3A_472 = arith.constant 352 : index
    %get3A_473 = tpu.vector_load %arg14[%get3A_472] {strides = array<i32>} : memref<512xi32, #tpu.memory_space<vmem>>, vector<16xi32>,
    %add3A_474 = arith.addi %mul3A_471, %get3A_473 : vector<16xi32>
    %swap3A_475 = arith.constant 352 : index
    %swap3A_476 = tpu.vector_load %arg16[%swap3A_475] {strides = array<i32>} : memref<512xi32, #tpu.memory_space<vmem>>, vector<16xi32>,
    tpu.vector_store %arg16[%swap3A_475], %add3A_474 {strides = array<i32>} : memref<512xi32, #tpu.memory_space<vmem>>, vector<16xi32>,
    %get3A_477 = arith.constant 368 : index
    %get3A_478 = tpu.vector_load %arg11[%get3A_477] {strides = array<i32>} : memref<512xi32, #tpu.memory_space<vmem>>, vector<16xi32>,
    %mul3A_479 = arith.constant 10 : i32
    %mul3A_480 = vector.broadcast %mul3A_479 : i32 to vector<16xi32>
    %mul3A_481 = arith.muli %get3A_478, %mul3A_480 : vector<16xi32>
    %get3A_482 = arith.constant 368 : index
    %get3A_483 = tpu.vector_load %arg12[%get3A_482] {strides = array<i32>} : memref<512xi32, #tpu.memory_space<vmem>>, vector<16xi32>,
    %add3A_484 = arith.addi %mul3A_481, %get3A_483 : vector<16xi32>
    %swap3A_485 = arith.constant 368 : index
    %swap3A_486 = tpu.vector_load %arg15[%swap3A_485] {strides = array<i32>} : memref<512xi32, #tpu.memory_space<vmem>>, vector<16xi32>,
    tpu.vector_store %arg15[%swap3A_485], %add3A_484 {strides = array<i32>} : memref<512xi32, #tpu.memory_space<vmem>>, vector<16xi32>,
    %get3A_487 = arith.constant 368 : index
    %get3A_488 = tpu.vector_load %arg13[%get3A_487] {strides = array<i32>} : memref<512xi32, #tpu.memory_space<vmem>>, vector<16xi32>,
    %mul3A_489 = arith.constant 10 : i32
    %mul3A_490 = vector.broadcast %mul3A_489 : i32 to vector<16xi32>
    %mul3A_491 = arith.muli %get3A_488, %mul3A_490 : vector<16xi32>
    %get3A_492 = arith.constant 368 : index
    %get3A_493 = tpu.vector_load %arg14[%get3A_492] {strides = array<i32>} : memref<512xi32, #tpu.memory_space<vmem>>, vector<16xi32>,
    %add3A_494 = arith.addi %mul3A_491, %get3A_493 : vector<16xi32>
    %swap3A_495 = arith.constant 368 : index
    %swap3A_496 = tpu.vector_load %arg16[%swap3A_495] {strides = array<i32>} : memref<512xi32, #tpu.memory_space<vmem>>, vector<16xi32>,
    tpu.vector_store %arg16[%swap3A_495], %add3A_494 {strides = array<i32>} : memref<512xi32, #tpu.memory_space<vmem>>, vector<16xi32>,
    %get3A_497 = arith.constant 384 : index
    %get3A_498 = tpu.vector_load %arg11[%get3A_497] {strides = array<i32>} : memref<512xi32, #tpu.memory_space<vmem>>, vector<16xi32>,
    %mul3A_499 = arith.constant 10 : i32
    %mul3A_500 = vector.broadcast %mul3A_499 : i32 to vector<16xi32>
    %mul3A_501 = arith.muli %get3A_498, %mul3A_500 : vector<16xi32>
    %get3A_502 = arith.constant 384 : index
    %get3A_503 = tpu.vector_load %arg12[%get3A_502] {strides = array<i32>} : memref<512xi32, #tpu.memory_space<vmem>>, vector<16xi32>,
    %add3A_504 = arith.addi %mul3A_501, %get3A_503 : vector<16xi32>
    %swap3A_505 = arith.constant 384 : index
    %swap3A_506 = tpu.vector_load %arg15[%swap3A_505] {strides = array<i32>} : memref<512xi32, #tpu.memory_space<vmem>>, vector<16xi32>,
    tpu.vector_store %arg15[%swap3A_505], %add3A_504 {strides = array<i32>} : memref<512xi32, #tpu.memory_space<vmem>>, vector<16xi32>,
    %get3A_507 = arith.constant 384 : index
    %get3A_508 = tpu.vector_load %arg13[%get3A_507] {strides = array<i32>} : memref<512xi32, #tpu.memory_space<vmem>>, vector<16xi32>,
    %mul3A_509 = arith.constant 10 : i32
    %mul3A_510 = vector.broadcast %mul3A_509 : i32 to vector<16xi32>
    %mul3A_511 = arith.muli %get3A_508, %mul3A_510 : vector<16xi32>
    %get3A_512 = arith.constant 384 : index
    %get3A_513 = tpu.vector_load %arg14[%get3A_512] {strides = array<i32>} : memref<512xi32, #tpu.memory_space<vmem>>, vector<16xi32>,
    %add3A_514 = arith.addi %mul3A_511, %get3A_513 : vector<16xi32>
    %swap3A_515 = arith.constant 384 : index
    %swap3A_516 = tpu.vector_load %arg16[%swap3A_515] {strides = array<i32>} : memref<512xi32, #tpu.memory_space<vmem>>, vector<16xi32>,
    tpu.vector_store %arg16[%swap3A_515], %add3A_514 {strides = array<i32>} : memref<512xi32, #tpu.memory_space<vmem>>, vector<16xi32>,
    %get3A_517 = arith.constant 400 : index
    %get3A_518 = tpu.vector_load %arg11[%get3A_517] {strides = array<i32>} : memref<512xi32, #tpu.memory_space<vmem>>, vector<16xi32>,
    %mul3A_519 = arith.constant 10 : i32
    %mul3A_520 = vector.broadcast %mul3A_519 : i32 to vector<16xi32>
    %mul3A_521 = arith.muli %get3A_518, %mul3A_520 : vector<16xi32>
    %get3A_522 = arith.constant 400 : index
    %get3A_523 = tpu.vector_load %arg12[%get3A_522] {strides = array<i32>} : memref<512xi32, #tpu.memory_space<vmem>>, vector<16xi32>,
    %add3A_524 = arith.addi %mul3A_521, %get3A_523 : vector<16xi32>
    %swap3A_525 = arith.constant 400 : index
    %swap3A_526 = tpu.vector_load %arg15[%swap3A_525] {strides = array<i32>} : memref<512xi32, #tpu.memory_space<vmem>>, vector<16xi32>,
    tpu.vector_store %arg15[%swap3A_525], %add3A_524 {strides = array<i32>} : memref<512xi32, #tpu.memory_space<vmem>>, vector<16xi32>,
    %get3A_527 = arith.constant 400 : index
    %get3A_528 = tpu.vector_load %arg13[%get3A_527] {strides = array<i32>} : memref<512xi32, #tpu.memory_space<vmem>>, vector<16xi32>,
    %mul3A_529 = arith.constant 10 : i32
    %mul3A_530 = vector.broadcast %mul3A_529 : i32 to vector<16xi32>
    %mul3A_531 = arith.muli %get3A_528, %mul3A_530 : vector<16xi32>
    %get3A_532 = arith.constant 400 : index
    %get3A_533 = tpu.vector_load %arg14[%get3A_532] {strides = array<i32>} : memref<512xi32, #tpu.memory_space<vmem>>, vector<16xi32>,
    %add3A_534 = arith.addi %mul3A_531, %get3A_533 : vector<16xi32>
    %swap3A_535 = arith.constant 400 : index
    %swap3A_536 = tpu.vector_load %arg16[%swap3A_535] {strides = array<i32>} : memref<512xi32, #tpu.memory_space<vmem>>, vector<16xi32>,
    tpu.vector_store %arg16[%swap3A_535], %add3A_534 {strides = array<i32>} : memref<512xi32, #tpu.memory_space<vmem>>, vector<16xi32>,
    %get3A_537 = arith.constant 416 : index
    %get3A_538 = tpu.vector_load %arg11[%get3A_537] {strides = array<i32>} : memref<512xi32, #tpu.memory_space<vmem>>, vector<16xi32>,
    %mul3A_539 = arith.constant 10 : i32
    %mul3A_540 = vector.broadcast %mul3A_539 : i32 to vector<16xi32>
    %mul3A_541 = arith.muli %get3A_538, %mul3A_540 : vector<16xi32>
    %get3A_542 = arith.constant 416 : index
    %get3A_543 = tpu.vector_load %arg12[%get3A_542] {strides = array<i32>} : memref<512xi32, #tpu.memory_space<vmem>>, vector<16xi32>,
    %add3A_544 = arith.addi %mul3A_541, %get3A_543 : vector<16xi32>
    %swap3A_545 = arith.constant 416 : index
    %swap3A_546 = tpu.vector_load %arg15[%swap3A_545] {strides = array<i32>} : memref<512xi32, #tpu.memory_space<vmem>>, vector<16xi32>,
    tpu.vector_store %arg15[%swap3A_545], %add3A_544 {strides = array<i32>} : memref<512xi32, #tpu.memory_space<vmem>>, vector<16xi32>,
    %get3A_547 = arith.constant 416 : index
    %get3A_548 = tpu.vector_load %arg13[%get3A_547] {strides = array<i32>} : memref<512xi32, #tpu.memory_space<vmem>>, vector<16xi32>,
    %mul3A_549 = arith.constant 10 : i32
    %mul3A_550 = vector.broadcast %mul3A_549 : i32 to vector<16xi32>
    %mul3A_551 = arith.muli %get3A_548, %mul3A_550 : vector<16xi32>
    %get3A_552 = arith.constant 416 : index
    %get3A_553 = tpu.vector_load %arg14[%get3A_552] {strides = array<i32>} : memref<512xi32, #tpu.memory_space<vmem>>, vector<16xi32>,
    %add3A_554 = arith.addi %mul3A_551, %get3A_553 : vector<16xi32>
    %swap3A_555 = arith.constant 416 : index
    %swap3A_556 = tpu.vector_load %arg16[%swap3A_555] {strides = array<i32>} : memref<512xi32, #tpu.memory_space<vmem>>, vector<16xi32>,
    tpu.vector_store %arg16[%swap3A_555], %add3A_554 {strides = array<i32>} : memref<512xi32, #tpu.memory_space<vmem>>, vector<16xi32>,
    %get3A_557 = arith.constant 432 : index
    %get3A_558 = tpu.vector_load %arg11[%get3A_557] {strides = array<i32>} : memref<512xi32, #tpu.memory_space<vmem>>, vector<16xi32>,
    %mul3A_559 = arith.constant 10 : i32
    %mul3A_560 = vector.broadcast %mul3A_559 : i32 to vector<16xi32>
    %mul3A_561 = arith.muli %get3A_558, %mul3A_560 : vector<16xi32>
    %get3A_562 = arith.constant 432 : index
    %get3A_563 = tpu.vector_load %arg12[%get3A_562] {strides = array<i32>} : memref<512xi32, #tpu.memory_space<vmem>>, vector<16xi32>,
    %add3A_564 = arith.addi %mul3A_561, %get3A_563 : vector<16xi32>
    %swap3A_565 = arith.constant 432 : index
    %swap3A_566 = tpu.vector_load %arg15[%swap3A_565] {strides = array<i32>} : memref<512xi32, #tpu.memory_space<vmem>>, vector<16xi32>,
    tpu.vector_store %arg15[%swap3A_565], %add3A_564 {strides = array<i32>} : memref<512xi32, #tpu.memory_space<vmem>>, vector<16xi32>,
    %get3A_567 = arith.constant 432 : index
    %get3A_568 = tpu.vector_load %arg13[%get3A_567] {strides = array<i32>} : memref<512xi32, #tpu.memory_space<vmem>>, vector<16xi32>,
    %mul3A_569 = arith.constant 10 : i32
    %mul3A_570 = vector.broadcast %mul3A_569 : i32 to vector<16xi32>
    %mul3A_571 = arith.muli %get3A_568, %mul3A_570 : vector<16xi32>
    %get3A_572 = arith.constant 432 : index
    %get3A_573 = tpu.vector_load %arg14[%get3A_572] {strides = array<i32>} : memref<512xi32, #tpu.memory_space<vmem>>, vector<16xi32>,
    %add3A_574 = arith.addi %mul3A_571, %get3A_573 : vector<16xi32>
    %swap3A_575 = arith.constant 432 : index
    %swap3A_576 = tpu.vector_load %arg16[%swap3A_575] {strides = array<i32>} : memref<512xi32, #tpu.memory_space<vmem>>, vector<16xi32>,
    tpu.vector_store %arg16[%swap3A_575], %add3A_574 {strides = array<i32>} : memref<512xi32, #tpu.memory_space<vmem>>, vector<16xi32>,
    %get3A_577 = arith.constant 448 : index
    %get3A_578 = tpu.vector_load %arg11[%get3A_577] {strides = array<i32>} : memref<512xi32, #tpu.memory_space<vmem>>, vector<16xi32>,
    %mul3A_579 = arith.constant 10 : i32
    %mul3A_580 = vector.broadcast %mul3A_579 : i32 to vector<16xi32>
    %mul3A_581 = arith.muli %get3A_578, %mul3A_580 : vector<16xi32>
    %get3A_582 = arith.constant 448 : index
    %get3A_583 = tpu.vector_load %arg12[%get3A_582] {strides = array<i32>} : memref<512xi32, #tpu.memory_space<vmem>>, vector<16xi32>,
    %add3A_584 = arith.addi %mul3A_581, %get3A_583 : vector<16xi32>
    %swap3A_585 = arith.constant 448 : index
    %swap3A_586 = tpu.vector_load %arg15[%swap3A_585] {strides = array<i32>} : memref<512xi32, #tpu.memory_space<vmem>>, vector<16xi32>,
    tpu.vector_store %arg15[%swap3A_585], %add3A_584 {strides = array<i32>} : memref<512xi32, #tpu.memory_space<vmem>>, vector<16xi32>,
    %get3A_587 = arith.constant 448 : index
    %get3A_588 = tpu.vector_load %arg13[%get3A_587] {strides = array<i32>} : memref<512xi32, #tpu.memory_space<vmem>>, vector<16xi32>,
    %mul3A_589 = arith.constant 10 : i32
    %mul3A_590 = vector.broadcast %mul3A_589 : i32 to vector<16xi32>
    %mul3A_591 = arith.muli %get3A_588, %mul3A_590 : vector<16xi32>
    %get3A_592 = arith.constant 448 : index
    %get3A_593 = tpu.vector_load %arg14[%get3A_592] {strides = array<i32>} : memref<512xi32, #tpu.memory_space<vmem>>, vector<16xi32>,
    %add3A_594 = arith.addi %mul3A_591, %get3A_593 : vector<16xi32>
    %swap3A_595 = arith.constant 448 : index
    %swap3A_596 = tpu.vector_load %arg16[%swap3A_595] {strides = array<i32>} : memref<512xi32, #tpu.memory_space<vmem>>, vector<16xi32>,
    tpu.vector_store %arg16[%swap3A_595], %add3A_594 {strides = array<i32>} : memref<512xi32, #tpu.memory_space<vmem>>, vector<16xi32>,
    %get3A_597 = arith.constant 464 : index
    %get3A_598 = tpu.vector_load %arg11[%get3A_597] {strides = array<i32>} : memref<512xi32, #tpu.memory_space<vmem>>, vector<16xi32>,
    %mul3A_599 = arith.constant 10 : i32
    %mul3A_600 = vector.broadcast %mul3A_599 : i32 to vector<16xi32>
    %mul3A_601 = arith.muli %get3A_598, %mul3A_600 : vector<16xi32>
    %get3A_602 = arith.constant 464 : index
    %get3A_603 = tpu.vector_load %arg12[%get3A_602] {strides = array<i32>} : memref<512xi32, #tpu.memory_space<vmem>>, vector<16xi32>,
    %add3A_604 = arith.addi %mul3A_601, %get3A_603 : vector<16xi32>
    %swap3A_605 = arith.constant 464 : index
    %swap3A_606 = tpu.vector_load %arg15[%swap3A_605] {strides = array<i32>} : memref<512xi32, #tpu.memory_space<vmem>>, vector<16xi32>,
    tpu.vector_store %arg15[%swap3A_605], %add3A_604 {strides = array<i32>} : memref<512xi32, #tpu.memory_space<vmem>>, vector<16xi32>,
    %get3A_607 = arith.constant 464 : index
    %get3A_608 = tpu.vector_load %arg13[%get3A_607] {strides = array<i32>} : memref<512xi32, #tpu.memory_space<vmem>>, vector<16xi32>,
    %mul3A_609 = arith.constant 10 : i32
    %mul3A_610 = vector.broadcast %mul3A_609 : i32 to vector<16xi32>
    %mul3A_611 = arith.muli %get3A_608, %mul3A_610 : vector<16xi32>
    %get3A_612 = arith.constant 464 : index
    %get3A_613 = tpu.vector_load %arg14[%get3A_612] {strides = array<i32>} : memref<512xi32, #tpu.memory_space<vmem>>, vector<16xi32>,
    %add3A_614 = arith.addi %mul3A_611, %get3A_613 : vector<16xi32>
    %swap3A_615 = arith.constant 464 : index
    %swap3A_616 = tpu.vector_load %arg16[%swap3A_615] {strides = array<i32>} : memref<512xi32, #tpu.memory_space<vmem>>, vector<16xi32>,
    tpu.vector_store %arg16[%swap3A_615], %add3A_614 {strides = array<i32>} : memref<512xi32, #tpu.memory_space<vmem>>, vector<16xi32>,
    %get3A_617 = arith.constant 480 : index
    %get3A_618 = tpu.vector_load %arg11[%get3A_617] {strides = array<i32>} : memref<512xi32, #tpu.memory_space<vmem>>, vector<16xi32>,
    %mul3A_619 = arith.constant 10 : i32
    %mul3A_620 = vector.broadcast %mul3A_619 : i32 to vector<16xi32>
    %mul3A_621 = arith.muli %get3A_618, %mul3A_620 : vector<16xi32>
    %get3A_622 = arith.constant 480 : index
    %get3A_623 = tpu.vector_load %arg12[%get3A_622] {strides = array<i32>} : memref<512xi32, #tpu.memory_space<vmem>>, vector<16xi32>,
    %add3A_624 = arith.addi %mul3A_621, %get3A_623 : vector<16xi32>
    %swap3A_625 = arith.constant 480 : index
    %swap3A_626 = tpu.vector_load %arg15[%swap3A_625] {strides = array<i32>} : memref<512xi32, #tpu.memory_space<vmem>>, vector<16xi32>,
    tpu.vector_store %arg15[%swap3A_625], %add3A_624 {strides = array<i32>} : memref<512xi32, #tpu.memory_space<vmem>>, vector<16xi32>,
    %get3A_627 = arith.constant 480 : index
    %get3A_628 = tpu.vector_load %arg13[%get3A_627] {strides = array<i32>} : memref<512xi32, #tpu.memory_space<vmem>>, vector<16xi32>,
    %mul3A_629 = arith.constant 10 : i32
    %mul3A_630 = vector.broadcast %mul3A_629 : i32 to vector<16xi32>
    %mul3A_631 = arith.muli %get3A_628, %mul3A_630 : vector<16xi32>
    %get3A_632 = arith.constant 480 : index
    %get3A_633 = tpu.vector_load %arg14[%get3A_632] {strides = array<i32>} : memref<512xi32, #tpu.memory_space<vmem>>, vector<16xi32>,
    %add3A_634 = arith.addi %mul3A_631, %get3A_633 : vector<16xi32>
    %swap3A_635 = arith.constant 480 : index
    %swap3A_636 = tpu.vector_load %arg16[%swap3A_635] {strides = array<i32>} : memref<512xi32, #tpu.memory_space<vmem>>, vector<16xi32>,
    tpu.vector_store %arg16[%swap3A_635], %add3A_634 {strides = array<i32>} : memref<512xi32, #tpu.memory_space<vmem>>, vector<16xi32>,
    %get3A_637 = arith.constant 496 : index
    %get3A_638 = tpu.vector_load %arg11[%get3A_637] {strides = array<i32>} : memref<512xi32, #tpu.memory_space<vmem>>, vector<16xi32>,
    %mul3A_639 = arith.constant 10 : i32
    %mul3A_640 = vector.broadcast %mul3A_639 : i32 to vector<16xi32>
    %mul3A_641 = arith.muli %get3A_638, %mul3A_640 : vector<16xi32>
    %get3A_642 = arith.constant 496 : index
    %get3A_643 = tpu.vector_load %arg12[%get3A_642] {strides = array<i32>} : memref<512xi32, #tpu.memory_space<vmem>>, vector<16xi32>,
    %add3A_644 = arith.addi %mul3A_641, %get3A_643 : vector<16xi32>
    %swap3A_645 = arith.constant 496 : index
    %swap3A_646 = tpu.vector_load %arg15[%swap3A_645] {strides = array<i32>} : memref<512xi32, #tpu.memory_space<vmem>>, vector<16xi32>,
    tpu.vector_store %arg15[%swap3A_645], %add3A_644 {strides = array<i32>} : memref<512xi32, #tpu.memory_space<vmem>>, vector<16xi32>,
    %get3A_647 = arith.constant 496 : index
    %get3A_648 = tpu.vector_load %arg13[%get3A_647] {strides = array<i32>} : memref<512xi32, #tpu.memory_space<vmem>>, vector<16xi32>,
    %mul3A_649 = arith.constant 10 : i32
    %mul3A_650 = vector.broadcast %mul3A_649 : i32 to vector<16xi32>
    %mul3A_651 = arith.muli %get3A_648, %mul3A_650 : vector<16xi32>
    %get3A_652 = arith.constant 496 : index
    %get3A_653 = tpu.vector_load %arg14[%get3A_652] {strides = array<i32>} : memref<512xi32, #tpu.memory_space<vmem>>, vector<16xi32>,
    %add3A_654 = arith.addi %mul3A_651, %get3A_653 : vector<16xi32>
    %swap3A_655 = arith.constant 496 : index
    %swap3A_656 = tpu.vector_load %arg16[%swap3A_655] {strides = array<i32>} : memref<512xi32, #tpu.memory_space<vmem>>, vector<16xi32>,
    tpu.vector_store %arg16[%swap3A_655], %add3A_654 {strides = array<i32>} : memref<512xi32, #tpu.memory_space<vmem>>, vector<16xi32>,
    %barrier3A = arith.constant 0 : index
    tpu.barrier barrier_id(%barrier3A)
    %dma_start3A_657 = arith.constant 0 : i32
    %dma_start3A_658 = tpu.memref_slice %arg15[%dma_start3A_657] : memref<512xi32, #tpu.memory_space<vmem>> -> memref<128xi32, #tpu.memory_space<vmem>>
    %dma_start3A_659 = arith.constant 0 : i32
    %dma_start3A_660 = arith.constant 0 : i32
    %dma_start3A_661 = tpu.memref_slice %arg17[%dma_start3A_659, %dma_start3A_660] : memref<100x128xf32, #tpu.memory_space<vmem_shared>> -> memref<100x128xf32, #tpu.memory_space<vmem_shared>>
    tpu.enqueue_indirect_dma source(%dma_start3A_661 : memref<100x128xf32, #tpu.memory_space<vmem_shared>>) target(%arg19 : memref<128x128xf32, #tpu.memory_space<vmem>>) offsets(%dma_start3A_658 : memref<128xi32, #tpu.memory_space<vmem>>) semaphore(%arg30 : memref<!tpu.dma_semaphore, #tpu.memory_space<semaphore_mem>>)
    %dma_start3A_662 = arith.constant 0 : i32
    %dma_start3A_663 = tpu.memref_slice %arg16[%dma_start3A_662] : memref<512xi32, #tpu.memory_space<vmem>> -> memref<128xi32, #tpu.memory_space<vmem>>
    %dma_start3A_664 = arith.constant 0 : i32
    %dma_start3A_665 = arith.constant 0 : i32
    %dma_start3A_666 = tpu.memref_slice %arg18[%dma_start3A_664, %dma_start3A_665] : memref<100x128xf32, #tpu.memory_space<vmem_shared>> -> memref<100x128xf32, #tpu.memory_space<vmem_shared>>
    tpu.enqueue_indirect_dma source(%dma_start3A_666 : memref<100x128xf32, #tpu.memory_space<vmem_shared>>) target(%arg21 : memref<128x128xf32, #tpu.memory_space<vmem>>) offsets(%dma_start3A_663 : memref<128xi32, #tpu.memory_space<vmem>>) semaphore(%arg32 : memref<!tpu.dma_semaphore, #tpu.memory_space<semaphore_mem>>)
    tpu.wait_dma2 semaphore(%arg39 : memref<!tpu.dma_semaphore, #tpu.memory_space<semaphore_mem>>) src(%arg8 : memref<16384xf32, #tpu.memory_space<hbm>>) dst(%arg23 : memref<16384xf32, #tpu.memory_space<vmem>>)
    %broadcast_in_dim3A = arith.constant 0.000000e+00 : f32
    %broadcast_in_dim3A_667 = vector.broadcast %broadcast_in_dim3A : f32 to vector<16xf32>
    %scan3A = arith.constant 0 : i32
    %scan3A_668 = arith.constant 1024 : i32
    %scan3A_669 = arith.addi %scan3A, %scan3A_668 : i32
    %scan3A_670 = arith.constant 1 : i32
    %scan3A_671:2 = scf.for %scan3A_1276 = %scan3A to %scan3A_669 step %scan3A_670 iter_args(%scan3A_1277 = %broadcast_in_dim3A_667, %scan3A_1278 = %broadcast_in_dim3A_667) -> (vector<16xf32>, vector<16xf32>)  : i32 {
      %mul3A_1279 = arith.constant 16 : i32
      %mul3A_1280 = arith.muli %mul3A_1279, %scan3A_1276 : i32
      %get3A_1281 = arith.index_cast %mul3A_1280 : i32 to index
      %get3A_1282 = tpu.vector_load %arg23[%get3A_1281] {strides = array<i32>} : memref<16384xf32, #tpu.memory_space<vmem>>, vector<16xf32>,
      %add3A_1283 = arith.addf %scan3A_1277, %get3A_1282 : vector<16xf32>
      %mul3A_1284 = arith.mulf %get3A_1282, %get3A_1282 : vector<16xf32>
      %add3A_1285 = arith.addf %scan3A_1278, %mul3A_1284 : vector<16xf32>
      scf.yield %add3A_1283, %add3A_1285 : vector<16xf32>, vector<16xf32>
    }
    %scan3A_672 = arith.constant 1024 : i32
    %reduce_sum3A = arith.constant true
    %reduce_sum3A_673 = vector.broadcast %reduce_sum3A : i1 to vector<16xi1>
    %reduce_sum3A_674 = tpu.scan <sum>, %scan3A_671#0 masked %reduce_sum3A_673 : vector<16xf32>, vector<16xi1> -> vector<16xf32>
    %reduce_sum3A_675 = vector.extract %reduce_sum3A_674[15] : f32 from vector<16xf32>
    %mul3A_676 = arith.constant 6.10351563E-5 : f32
    %mul3A_677 = arith.mulf %reduce_sum3A_675, %mul3A_676 : f32
    %reduce_sum3A_678 = arith.constant true
    %reduce_sum3A_679 = vector.broadcast %reduce_sum3A_678 : i1 to vector<16xi1>
    %reduce_sum3A_680 = tpu.scan <sum>, %scan3A_671#1 masked %reduce_sum3A_679 : vector<16xf32>, vector<16xi1> -> vector<16xf32>
    %reduce_sum3A_681 = vector.extract %reduce_sum3A_680[15] : f32 from vector<16xf32>
    %mul3A_682 = arith.constant 1.638400e+04 : f32
    %mul3A_683 = arith.mulf %mul3A_682, %mul3A_677 : f32
    %mul3A_684 = arith.mulf %mul3A_683, %mul3A_677 : f32
    %sub3A = arith.subf %reduce_sum3A_681, %mul3A_684 : f32
    %mul3A_685 = arith.constant 6.10388815E-5 : f32
    %mul3A_686 = arith.mulf %sub3A, %mul3A_685 : f32
    %broadcast_in_dim3A_687 = vector.broadcast %mul3A_686 : f32 to vector<16xf32>
    %bitcast3A = vector.bitcast %broadcast_in_dim3A_687 : vector<16xf32> to vector<16xi32>
    %shift_right_arithmetic3A = arith.constant 1 : i32
    %shift_right_arithmetic3A_688 = vector.broadcast %shift_right_arithmetic3A : i32 to vector<16xi32>
    %shift_right_arithmetic3A_689 = arith.shrsi %bitcast3A, %shift_right_arithmetic3A_688 : vector<16xi32>
    %sub3A_690 = arith.constant 1597463007 : i32
    %sub3A_691 = vector.broadcast %sub3A_690 : i32 to vector<16xi32>
    %sub3A_692 = arith.subi %sub3A_691, %shift_right_arithmetic3A_689 : vector<16xi32>
    %bitcast3A_693 = vector.bitcast %sub3A_692 : vector<16xi32> to vector<16xf32>
    %mul3A_694 = arith.constant 5.000000e-01 : f32
    %mul3A_695 = vector.broadcast %mul3A_694 : f32 to vector<16xf32>
    %mul3A_696 = arith.mulf %mul3A_695, %broadcast_in_dim3A_687 : vector<16xf32>
    %mul3A_697 = arith.mulf %mul3A_696, %bitcast3A_693 : vector<16xf32>
    %mul3A_698 = arith.mulf %mul3A_697, %bitcast3A_693 : vector<16xf32>
    %sub3A_699 = arith.constant 1.500000e+00 : f32
    %sub3A_700 = vector.broadcast %sub3A_699 : f32 to vector<16xf32>
    %sub3A_701 = arith.subf %sub3A_700, %mul3A_698 : vector<16xf32>
    %mul3A_702 = arith.mulf %bitcast3A_693, %sub3A_701 : vector<16xf32>
    %mul3A_703 = arith.constant 5.000000e-01 : f32
    %mul3A_704 = vector.broadcast %mul3A_703 : f32 to vector<16xf32>
    %mul3A_705 = arith.mulf %mul3A_704, %broadcast_in_dim3A_687 : vector<16xf32>
    %mul3A_706 = arith.mulf %mul3A_705, %mul3A_702 : vector<16xf32>
    %mul3A_707 = arith.mulf %mul3A_706, %mul3A_702 : vector<16xf32>
    %sub3A_708 = arith.constant 1.500000e+00 : f32
    %sub3A_709 = vector.broadcast %sub3A_708 : f32 to vector<16xf32>
    %sub3A_710 = arith.subf %sub3A_709, %mul3A_707 : vector<16xf32>
    %mul3A_711 = arith.mulf %mul3A_702, %sub3A_710 : vector<16xf32>
    %mul3A_712 = arith.constant 5.000000e-01 : f32
    %mul3A_713 = vector.broadcast %mul3A_712 : f32 to vector<16xf32>
    %mul3A_714 = arith.mulf %mul3A_713, %broadcast_in_dim3A_687 : vector<16xf32>
    %mul3A_715 = arith.mulf %mul3A_714, %mul3A_711 : vector<16xf32>
    %mul3A_716 = arith.mulf %mul3A_715, %mul3A_711 : vector<16xf32>
    %sub3A_717 = arith.constant 1.500000e+00 : f32
    %sub3A_718 = vector.broadcast %sub3A_717 : f32 to vector<16xf32>
    %sub3A_719 = arith.subf %sub3A_718, %mul3A_716 : vector<16xf32>
    %mul3A_720 = arith.mulf %mul3A_711, %sub3A_719 : vector<16xf32>
    %mul3A_721 = arith.constant 5.000000e-01 : f32
    %mul3A_722 = vector.broadcast %mul3A_721 : f32 to vector<16xf32>
    %mul3A_723 = arith.mulf %mul3A_722, %broadcast_in_dim3A_687 : vector<16xf32>
    %mul3A_724 = arith.mulf %mul3A_723, %mul3A_720 : vector<16xf32>
    %mul3A_725 = arith.mulf %mul3A_724, %mul3A_720 : vector<16xf32>
    %sub3A_726 = arith.constant 1.500000e+00 : f32
    %sub3A_727 = vector.broadcast %sub3A_726 : f32 to vector<16xf32>
    %sub3A_728 = arith.subf %sub3A_727, %mul3A_725 : vector<16xf32>
    %mul3A_729 = arith.mulf %mul3A_720, %sub3A_728 : vector<16xf32>
    %broadcast_in_dim3A_730 = vector.broadcast %mul3A_677 : f32 to vector<16xf32>
    %iota3A = tpu.iota {dimensions = array<i32: 0>} : vector<16xi32>
    %mul3A_731 = arith.constant 0 : i32
    %mul3A_732 = vector.broadcast %mul3A_731 : i32 to vector<16xi32>
    %mul3A_733 = arith.muli %iota3A, %mul3A_732 : vector<16xi32>
    %add3A_734 = arith.constant 0 : i32
    %add3A_735 = arith.addi %mul3A_2, %add3A_734 : i32
    %add3A_736 = arith.constant 0 : i32
    %add3A_737 = arith.addi %add3A_735, %add3A_736 : i32
    %get3A_738 = arith.index_cast %add3A_737 : i32 to index
    %get3A_739 = tpu.vector_load %arg23[%get3A_738] {strides = array<i32>} : memref<16384xf32, #tpu.memory_space<vmem>>, vector<16xf32>,
    %add3A_740 = arith.constant 0 : i32
    %add3A_741 = vector.broadcast %add3A_740 : i32 to vector<16xi32>
    %add3A_742 = arith.addi %iota3A, %add3A_741 : vector<16xi32>
    %sub3A_743 = arith.subf %get3A_739, %broadcast_in_dim3A_730 : vector<16xf32>
    %mul3A_744 = arith.mulf %sub3A_743, %mul3A_729 : vector<16xf32>
    tpu.vector_store_idx %arg24[%add3A_742, %mul3A_733], %mul3A_744 : memref<128x1xf32, #tpu.memory_space<vmem>>[vector<16xi32>, vector<16xi32>], vector<16xf32>,
    %add3A_745 = arith.constant 0 : i32
    %add3A_746 = arith.addi %mul3A_2, %add3A_745 : i32
    %add3A_747 = arith.constant 16 : i32
    %add3A_748 = arith.addi %add3A_746, %add3A_747 : i32
    %get3A_749 = arith.index_cast %add3A_748 : i32 to index
    %get3A_750 = tpu.vector_load %arg23[%get3A_749] {strides = array<i32>} : memref<16384xf32, #tpu.memory_space<vmem>>, vector<16xf32>,
    %add3A_751 = arith.constant 16 : i32
    %add3A_752 = vector.broadcast %add3A_751 : i32 to vector<16xi32>
    %add3A_753 = arith.addi %iota3A, %add3A_752 : vector<16xi32>
    %sub3A_754 = arith.subf %get3A_750, %broadcast_in_dim3A_730 : vector<16xf32>
    %mul3A_755 = arith.mulf %sub3A_754, %mul3A_729 : vector<16xf32>
    tpu.vector_store_idx %arg24[%add3A_753, %mul3A_733], %mul3A_755 : memref<128x1xf32, #tpu.memory_space<vmem>>[vector<16xi32>, vector<16xi32>], vector<16xf32>,
    %add3A_756 = arith.constant 0 : i32
    %add3A_757 = arith.addi %mul3A_2, %add3A_756 : i32
    %add3A_758 = arith.constant 32 : i32
    %add3A_759 = arith.addi %add3A_757, %add3A_758 : i32
    %get3A_760 = arith.index_cast %add3A_759 : i32 to index
    %get3A_761 = tpu.vector_load %arg23[%get3A_760] {strides = array<i32>} : memref<16384xf32, #tpu.memory_space<vmem>>, vector<16xf32>,
    %add3A_762 = arith.constant 32 : i32
    %add3A_763 = vector.broadcast %add3A_762 : i32 to vector<16xi32>
    %add3A_764 = arith.addi %iota3A, %add3A_763 : vector<16xi32>
    %sub3A_765 = arith.subf %get3A_761, %broadcast_in_dim3A_730 : vector<16xf32>
    %mul3A_766 = arith.mulf %sub3A_765, %mul3A_729 : vector<16xf32>
    tpu.vector_store_idx %arg24[%add3A_764, %mul3A_733], %mul3A_766 : memref<128x1xf32, #tpu.memory_space<vmem>>[vector<16xi32>, vector<16xi32>], vector<16xf32>,
    %add3A_767 = arith.constant 0 : i32
    %add3A_768 = arith.addi %mul3A_2, %add3A_767 : i32
    %add3A_769 = arith.constant 48 : i32
    %add3A_770 = arith.addi %add3A_768, %add3A_769 : i32
    %get3A_771 = arith.index_cast %add3A_770 : i32 to index
    %get3A_772 = tpu.vector_load %arg23[%get3A_771] {strides = array<i32>} : memref<16384xf32, #tpu.memory_space<vmem>>, vector<16xf32>,
    %add3A_773 = arith.constant 48 : i32
    %add3A_774 = vector.broadcast %add3A_773 : i32 to vector<16xi32>
    %add3A_775 = arith.addi %iota3A, %add3A_774 : vector<16xi32>
    %sub3A_776 = arith.subf %get3A_772, %broadcast_in_dim3A_730 : vector<16xf32>
    %mul3A_777 = arith.mulf %sub3A_776, %mul3A_729 : vector<16xf32>
    tpu.vector_store_idx %arg24[%add3A_775, %mul3A_733], %mul3A_777 : memref<128x1xf32, #tpu.memory_space<vmem>>[vector<16xi32>, vector<16xi32>], vector<16xf32>,
    %add3A_778 = arith.constant 0 : i32
    %add3A_779 = arith.addi %mul3A_2, %add3A_778 : i32
    %add3A_780 = arith.constant 64 : i32
    %add3A_781 = arith.addi %add3A_779, %add3A_780 : i32
    %get3A_782 = arith.index_cast %add3A_781 : i32 to index
    %get3A_783 = tpu.vector_load %arg23[%get3A_782] {strides = array<i32>} : memref<16384xf32, #tpu.memory_space<vmem>>, vector<16xf32>,
    %add3A_784 = arith.constant 64 : i32
    %add3A_785 = vector.broadcast %add3A_784 : i32 to vector<16xi32>
    %add3A_786 = arith.addi %iota3A, %add3A_785 : vector<16xi32>
    %sub3A_787 = arith.subf %get3A_783, %broadcast_in_dim3A_730 : vector<16xf32>
    %mul3A_788 = arith.mulf %sub3A_787, %mul3A_729 : vector<16xf32>
    tpu.vector_store_idx %arg24[%add3A_786, %mul3A_733], %mul3A_788 : memref<128x1xf32, #tpu.memory_space<vmem>>[vector<16xi32>, vector<16xi32>], vector<16xf32>,
    %add3A_789 = arith.constant 0 : i32
    %add3A_790 = arith.addi %mul3A_2, %add3A_789 : i32
    %add3A_791 = arith.constant 80 : i32
    %add3A_792 = arith.addi %add3A_790, %add3A_791 : i32
    %get3A_793 = arith.index_cast %add3A_792 : i32 to index
    %get3A_794 = tpu.vector_load %arg23[%get3A_793] {strides = array<i32>} : memref<16384xf32, #tpu.memory_space<vmem>>, vector<16xf32>,
    %add3A_795 = arith.constant 80 : i32
    %add3A_796 = vector.broadcast %add3A_795 : i32 to vector<16xi32>
    %add3A_797 = arith.addi %iota3A, %add3A_796 : vector<16xi32>
    %sub3A_798 = arith.subf %get3A_794, %broadcast_in_dim3A_730 : vector<16xf32>
    %mul3A_799 = arith.mulf %sub3A_798, %mul3A_729 : vector<16xf32>
    tpu.vector_store_idx %arg24[%add3A_797, %mul3A_733], %mul3A_799 : memref<128x1xf32, #tpu.memory_space<vmem>>[vector<16xi32>, vector<16xi32>], vector<16xf32>,
    %add3A_800 = arith.constant 0 : i32
    %add3A_801 = arith.addi %mul3A_2, %add3A_800 : i32
    %add3A_802 = arith.constant 96 : i32
    %add3A_803 = arith.addi %add3A_801, %add3A_802 : i32
    %get3A_804 = arith.index_cast %add3A_803 : i32 to index
    %get3A_805 = tpu.vector_load %arg23[%get3A_804] {strides = array<i32>} : memref<16384xf32, #tpu.memory_space<vmem>>, vector<16xf32>,
    %add3A_806 = arith.constant 96 : i32
    %add3A_807 = vector.broadcast %add3A_806 : i32 to vector<16xi32>
    %add3A_808 = arith.addi %iota3A, %add3A_807 : vector<16xi32>
    %sub3A_809 = arith.subf %get3A_805, %broadcast_in_dim3A_730 : vector<16xf32>
    %mul3A_810 = arith.mulf %sub3A_809, %mul3A_729 : vector<16xf32>
    tpu.vector_store_idx %arg24[%add3A_808, %mul3A_733], %mul3A_810 : memref<128x1xf32, #tpu.memory_space<vmem>>[vector<16xi32>, vector<16xi32>], vector<16xf32>,
    %add3A_811 = arith.constant 0 : i32
    %add3A_812 = arith.addi %mul3A_2, %add3A_811 : i32
    %add3A_813 = arith.constant 112 : i32
    %add3A_814 = arith.addi %add3A_812, %add3A_813 : i32
    %get3A_815 = arith.index_cast %add3A_814 : i32 to index
    %get3A_816 = tpu.vector_load %arg23[%get3A_815] {strides = array<i32>} : memref<16384xf32, #tpu.memory_space<vmem>>, vector<16xf32>,
    %add3A_817 = arith.constant 112 : i32
    %add3A_818 = vector.broadcast %add3A_817 : i32 to vector<16xi32>
    %add3A_819 = arith.addi %iota3A, %add3A_818 : vector<16xi32>
    %sub3A_820 = arith.subf %get3A_816, %broadcast_in_dim3A_730 : vector<16xf32>
    %mul3A_821 = arith.mulf %sub3A_820, %mul3A_729 : vector<16xf32>
    tpu.vector_store_idx %arg24[%add3A_819, %mul3A_733], %mul3A_821 : memref<128x1xf32, #tpu.memory_space<vmem>>[vector<16xi32>, vector<16xi32>], vector<16xf32>,
    %add3A_822 = arith.constant 0 : i32
    %add3A_823 = arith.addi %mul3A_2, %add3A_822 : i32
    %dma_start3A_824 = arith.constant 0 : i32
    %dma_start3A_825 = tpu.memref_slice %arg10[%add3A_823, %dma_start3A_824] : memref<16384x1xf32, #tpu.memory_space<hbm>> -> memref<128x1xf32, #tpu.memory_space<hbm>>
    %dma_start3A_826 = arith.constant 0 : i32
    %dma_start3A_827 = tpu.memref_slice %arg10[%add3A_823, %dma_start3A_826] : memref<16384x1xf32, #tpu.memory_space<hbm>> -> memref<128x1xf32, #tpu.memory_space<hbm>>
    tpu.enqueue_dma source(%arg24 : memref<128x1xf32, #tpu.memory_space<vmem>>) target(%dma_start3A_827 : memref<128x1xf32, #tpu.memory_space<hbm>>) target_semaphore(%arg39 : memref<!tpu.dma_semaphore, #tpu.memory_space<semaphore_mem>>)
    %add3A_828 = arith.constant 128 : i32
    %add3A_829 = arith.addi %mul3A_2, %add3A_828 : i32
    %add3A_830 = arith.constant 0 : i32
    %add3A_831 = arith.addi %add3A_829, %add3A_830 : i32
    %get3A_832 = arith.index_cast %add3A_831 : i32 to index
    %get3A_833 = tpu.vector_load %arg23[%get3A_832] {strides = array<i32>} : memref<16384xf32, #tpu.memory_space<vmem>>, vector<16xf32>,
    %add3A_834 = arith.constant 0 : i32
    %add3A_835 = vector.broadcast %add3A_834 : i32 to vector<16xi32>
    %add3A_836 = arith.addi %iota3A, %add3A_835 : vector<16xi32>
    %sub3A_837 = arith.subf %get3A_833, %broadcast_in_dim3A_730 : vector<16xf32>
    %mul3A_838 = arith.mulf %sub3A_837, %mul3A_729 : vector<16xf32>
    tpu.vector_store_idx %arg25[%add3A_836, %mul3A_733], %mul3A_838 : memref<128x1xf32, #tpu.memory_space<vmem>>[vector<16xi32>, vector<16xi32>], vector<16xf32>,
    %add3A_839 = arith.constant 128 : i32
    %add3A_840 = arith.addi %mul3A_2, %add3A_839 : i32
    %add3A_841 = arith.constant 16 : i32
    %add3A_842 = arith.addi %add3A_840, %add3A_841 : i32
    %get3A_843 = arith.index_cast %add3A_842 : i32 to index
    %get3A_844 = tpu.vector_load %arg23[%get3A_843] {strides = array<i32>} : memref<16384xf32, #tpu.memory_space<vmem>>, vector<16xf32>,
    %add3A_845 = arith.constant 16 : i32
    %add3A_846 = vector.broadcast %add3A_845 : i32 to vector<16xi32>
    %add3A_847 = arith.addi %iota3A, %add3A_846 : vector<16xi32>
    %sub3A_848 = arith.subf %get3A_844, %broadcast_in_dim3A_730 : vector<16xf32>
    %mul3A_849 = arith.mulf %sub3A_848, %mul3A_729 : vector<16xf32>
    tpu.vector_store_idx %arg25[%add3A_847, %mul3A_733], %mul3A_849 : memref<128x1xf32, #tpu.memory_space<vmem>>[vector<16xi32>, vector<16xi32>], vector<16xf32>,
    %add3A_850 = arith.constant 128 : i32
    %add3A_851 = arith.addi %mul3A_2, %add3A_850 : i32
    %add3A_852 = arith.constant 32 : i32
    %add3A_853 = arith.addi %add3A_851, %add3A_852 : i32
    %get3A_854 = arith.index_cast %add3A_853 : i32 to index
    %get3A_855 = tpu.vector_load %arg23[%get3A_854] {strides = array<i32>} : memref<16384xf32, #tpu.memory_space<vmem>>, vector<16xf32>,
    %add3A_856 = arith.constant 32 : i32
    %add3A_857 = vector.broadcast %add3A_856 : i32 to vector<16xi32>
    %add3A_858 = arith.addi %iota3A, %add3A_857 : vector<16xi32>
    %sub3A_859 = arith.subf %get3A_855, %broadcast_in_dim3A_730 : vector<16xf32>
    %mul3A_860 = arith.mulf %sub3A_859, %mul3A_729 : vector<16xf32>
    tpu.vector_store_idx %arg25[%add3A_858, %mul3A_733], %mul3A_860 : memref<128x1xf32, #tpu.memory_space<vmem>>[vector<16xi32>, vector<16xi32>], vector<16xf32>,
    %add3A_861 = arith.constant 128 : i32
    %add3A_862 = arith.addi %mul3A_2, %add3A_861 : i32
    %add3A_863 = arith.constant 48 : i32
    %add3A_864 = arith.addi %add3A_862, %add3A_863 : i32
    %get3A_865 = arith.index_cast %add3A_864 : i32 to index
    %get3A_866 = tpu.vector_load %arg23[%get3A_865] {strides = array<i32>} : memref<16384xf32, #tpu.memory_space<vmem>>, vector<16xf32>,
    %add3A_867 = arith.constant 48 : i32
    %add3A_868 = vector.broadcast %add3A_867 : i32 to vector<16xi32>
    %add3A_869 = arith.addi %iota3A, %add3A_868 : vector<16xi32>
    %sub3A_870 = arith.subf %get3A_866, %broadcast_in_dim3A_730 : vector<16xf32>
    %mul3A_871 = arith.mulf %sub3A_870, %mul3A_729 : vector<16xf32>
    tpu.vector_store_idx %arg25[%add3A_869, %mul3A_733], %mul3A_871 : memref<128x1xf32, #tpu.memory_space<vmem>>[vector<16xi32>, vector<16xi32>], vector<16xf32>,
    %add3A_872 = arith.constant 128 : i32
    %add3A_873 = arith.addi %mul3A_2, %add3A_872 : i32
    %add3A_874 = arith.constant 64 : i32
    %add3A_875 = arith.addi %add3A_873, %add3A_874 : i32
    %get3A_876 = arith.index_cast %add3A_875 : i32 to index
    %get3A_877 = tpu.vector_load %arg23[%get3A_876] {strides = array<i32>} : memref<16384xf32, #tpu.memory_space<vmem>>, vector<16xf32>,
    %add3A_878 = arith.constant 64 : i32
    %add3A_879 = vector.broadcast %add3A_878 : i32 to vector<16xi32>
    %add3A_880 = arith.addi %iota3A, %add3A_879 : vector<16xi32>
    %sub3A_881 = arith.subf %get3A_877, %broadcast_in_dim3A_730 : vector<16xf32>
    %mul3A_882 = arith.mulf %sub3A_881, %mul3A_729 : vector<16xf32>
    tpu.vector_store_idx %arg25[%add3A_880, %mul3A_733], %mul3A_882 : memref<128x1xf32, #tpu.memory_space<vmem>>[vector<16xi32>, vector<16xi32>], vector<16xf32>,
    %add3A_883 = arith.constant 128 : i32
    %add3A_884 = arith.addi %mul3A_2, %add3A_883 : i32
    %add3A_885 = arith.constant 80 : i32
    %add3A_886 = arith.addi %add3A_884, %add3A_885 : i32
    %get3A_887 = arith.index_cast %add3A_886 : i32 to index
    %get3A_888 = tpu.vector_load %arg23[%get3A_887] {strides = array<i32>} : memref<16384xf32, #tpu.memory_space<vmem>>, vector<16xf32>,
    %add3A_889 = arith.constant 80 : i32
    %add3A_890 = vector.broadcast %add3A_889 : i32 to vector<16xi32>
    %add3A_891 = arith.addi %iota3A, %add3A_890 : vector<16xi32>
    %sub3A_892 = arith.subf %get3A_888, %broadcast_in_dim3A_730 : vector<16xf32>
    %mul3A_893 = arith.mulf %sub3A_892, %mul3A_729 : vector<16xf32>
    tpu.vector_store_idx %arg25[%add3A_891, %mul3A_733], %mul3A_893 : memref<128x1xf32, #tpu.memory_space<vmem>>[vector<16xi32>, vector<16xi32>], vector<16xf32>,
    %add3A_894 = arith.constant 128 : i32
    %add3A_895 = arith.addi %mul3A_2, %add3A_894 : i32
    %add3A_896 = arith.constant 96 : i32
    %add3A_897 = arith.addi %add3A_895, %add3A_896 : i32
    %get3A_898 = arith.index_cast %add3A_897 : i32 to index
    %get3A_899 = tpu.vector_load %arg23[%get3A_898] {strides = array<i32>} : memref<16384xf32, #tpu.memory_space<vmem>>, vector<16xf32>,
    %add3A_900 = arith.constant 96 : i32
    %add3A_901 = vector.broadcast %add3A_900 : i32 to vector<16xi32>
    %add3A_902 = arith.addi %iota3A, %add3A_901 : vector<16xi32>
    %sub3A_903 = arith.subf %get3A_899, %broadcast_in_dim3A_730 : vector<16xf32>
    %mul3A_904 = arith.mulf %sub3A_903, %mul3A_729 : vector<16xf32>
    tpu.vector_store_idx %arg25[%add3A_902, %mul3A_733], %mul3A_904 : memref<128x1xf32, #tpu.memory_space<vmem>>[vector<16xi32>, vector<16xi32>], vector<16xf32>,
    %add3A_905 = arith.constant 128 : i32
    %add3A_906 = arith.addi %mul3A_2, %add3A_905 : i32
    %add3A_907 = arith.constant 112 : i32
    %add3A_908 = arith.addi %add3A_906, %add3A_907 : i32
    %get3A_909 = arith.index_cast %add3A_908 : i32 to index
    %get3A_910 = tpu.vector_load %arg23[%get3A_909] {strides = array<i32>} : memref<16384xf32, #tpu.memory_space<vmem>>, vector<16xf32>,
    %add3A_911 = arith.constant 112 : i32
    %add3A_912 = vector.broadcast %add3A_911 : i32 to vector<16xi32>
    %add3A_913 = arith.addi %iota3A, %add3A_912 : vector<16xi32>
    %sub3A_914 = arith.subf %get3A_910, %broadcast_in_dim3A_730 : vector<16xf32>
    %mul3A_915 = arith.mulf %sub3A_914, %mul3A_729 : vector<16xf32>
    tpu.vector_store_idx %arg25[%add3A_913, %mul3A_733], %mul3A_915 : memref<128x1xf32, #tpu.memory_space<vmem>>[vector<16xi32>, vector<16xi32>], vector<16xf32>,
    %add3A_916 = arith.constant 128 : i32
    %add3A_917 = arith.addi %mul3A_2, %add3A_916 : i32
    %dma_start3A_918 = arith.constant 0 : i32
    %dma_start3A_919 = tpu.memref_slice %arg10[%add3A_917, %dma_start3A_918] : memref<16384x1xf32, #tpu.memory_space<hbm>> -> memref<128x1xf32, #tpu.memory_space<hbm>>
    %dma_start3A_920 = arith.constant 0 : i32
    %dma_start3A_921 = tpu.memref_slice %arg10[%add3A_917, %dma_start3A_920] : memref<16384x1xf32, #tpu.memory_space<hbm>> -> memref<128x1xf32, #tpu.memory_space<hbm>>
    tpu.enqueue_dma source(%arg25 : memref<128x1xf32, #tpu.memory_space<vmem>>) target(%dma_start3A_921 : memref<128x1xf32, #tpu.memory_space<hbm>>) target_semaphore(%arg40 : memref<!tpu.dma_semaphore, #tpu.memory_space<semaphore_mem>>)
    %dma_wait3A_922 = arith.constant 0 : i32
    %dma_wait3A_923 = tpu.memref_slice %arg10[%add3A_823, %dma_wait3A_922] : memref<16384x1xf32, #tpu.memory_space<hbm>> -> memref<128x1xf32, #tpu.memory_space<hbm>>
    %dma_wait3A_924 = arith.constant 0 : i32
    %dma_wait3A_925 = tpu.memref_slice %arg10[%add3A_823, %dma_wait3A_924] : memref<16384x1xf32, #tpu.memory_space<hbm>> -> memref<128x1xf32, #tpu.memory_space<hbm>>
    tpu.wait_dma2 semaphore(%arg39 : memref<!tpu.dma_semaphore, #tpu.memory_space<semaphore_mem>>) src(%arg24 : memref<128x1xf32, #tpu.memory_space<vmem>>) dst(%dma_wait3A_925 : memref<128x1xf32, #tpu.memory_space<hbm>>)
    %add3A_926 = arith.constant 256 : i32
    %add3A_927 = arith.addi %mul3A_2, %add3A_926 : i32
    %add3A_928 = arith.constant 0 : i32
    %add3A_929 = arith.addi %add3A_927, %add3A_928 : i32
    %get3A_930 = arith.index_cast %add3A_929 : i32 to index
    %get3A_931 = tpu.vector_load %arg23[%get3A_930] {strides = array<i32>} : memref<16384xf32, #tpu.memory_space<vmem>>, vector<16xf32>,
    %add3A_932 = arith.constant 0 : i32
    %add3A_933 = vector.broadcast %add3A_932 : i32 to vector<16xi32>
    %add3A_934 = arith.addi %iota3A, %add3A_933 : vector<16xi32>
    %sub3A_935 = arith.subf %get3A_931, %broadcast_in_dim3A_730 : vector<16xf32>
    %mul3A_936 = arith.mulf %sub3A_935, %mul3A_729 : vector<16xf32>
    tpu.vector_store_idx %arg24[%add3A_934, %mul3A_733], %mul3A_936 : memref<128x1xf32, #tpu.memory_space<vmem>>[vector<16xi32>, vector<16xi32>], vector<16xf32>,
    %add3A_937 = arith.constant 256 : i32
    %add3A_938 = arith.addi %mul3A_2, %add3A_937 : i32
    %add3A_939 = arith.constant 16 : i32
    %add3A_940 = arith.addi %add3A_938, %add3A_939 : i32
    %get3A_941 = arith.index_cast %add3A_940 : i32 to index
    %get3A_942 = tpu.vector_load %arg23[%get3A_941] {strides = array<i32>} : memref<16384xf32, #tpu.memory_space<vmem>>, vector<16xf32>,
    %add3A_943 = arith.constant 16 : i32
    %add3A_944 = vector.broadcast %add3A_943 : i32 to vector<16xi32>
    %add3A_945 = arith.addi %iota3A, %add3A_944 : vector<16xi32>
    %sub3A_946 = arith.subf %get3A_942, %broadcast_in_dim3A_730 : vector<16xf32>
    %mul3A_947 = arith.mulf %sub3A_946, %mul3A_729 : vector<16xf32>
    tpu.vector_store_idx %arg24[%add3A_945, %mul3A_733], %mul3A_947 : memref<128x1xf32, #tpu.memory_space<vmem>>[vector<16xi32>, vector<16xi32>], vector<16xf32>,
    %add3A_948 = arith.constant 256 : i32
    %add3A_949 = arith.addi %mul3A_2, %add3A_948 : i32
    %add3A_950 = arith.constant 32 : i32
    %add3A_951 = arith.addi %add3A_949, %add3A_950 : i32
    %get3A_952 = arith.index_cast %add3A_951 : i32 to index
    %get3A_953 = tpu.vector_load %arg23[%get3A_952] {strides = array<i32>} : memref<16384xf32, #tpu.memory_space<vmem>>, vector<16xf32>,
    %add3A_954 = arith.constant 32 : i32
    %add3A_955 = vector.broadcast %add3A_954 : i32 to vector<16xi32>
    %add3A_956 = arith.addi %iota3A, %add3A_955 : vector<16xi32>
    %sub3A_957 = arith.subf %get3A_953, %broadcast_in_dim3A_730 : vector<16xf32>
    %mul3A_958 = arith.mulf %sub3A_957, %mul3A_729 : vector<16xf32>
    tpu.vector_store_idx %arg24[%add3A_956, %mul3A_733], %mul3A_958 : memref<128x1xf32, #tpu.memory_space<vmem>>[vector<16xi32>, vector<16xi32>], vector<16xf32>,
    %add3A_959 = arith.constant 256 : i32
    %add3A_960 = arith.addi %mul3A_2, %add3A_959 : i32
    %add3A_961 = arith.constant 48 : i32
    %add3A_962 = arith.addi %add3A_960, %add3A_961 : i32
    %get3A_963 = arith.index_cast %add3A_962 : i32 to index
    %get3A_964 = tpu.vector_load %arg23[%get3A_963] {strides = array<i32>} : memref<16384xf32, #tpu.memory_space<vmem>>, vector<16xf32>,
    %add3A_965 = arith.constant 48 : i32
    %add3A_966 = vector.broadcast %add3A_965 : i32 to vector<16xi32>
    %add3A_967 = arith.addi %iota3A, %add3A_966 : vector<16xi32>
    %sub3A_968 = arith.subf %get3A_964, %broadcast_in_dim3A_730 : vector<16xf32>
    %mul3A_969 = arith.mulf %sub3A_968, %mul3A_729 : vector<16xf32>
    tpu.vector_store_idx %arg24[%add3A_967, %mul3A_733], %mul3A_969 : memref<128x1xf32, #tpu.memory_space<vmem>>[vector<16xi32>, vector<16xi32>], vector<16xf32>,
    %add3A_970 = arith.constant 256 : i32
    %add3A_971 = arith.addi %mul3A_2, %add3A_970 : i32
    %add3A_972 = arith.constant 64 : i32
    %add3A_973 = arith.addi %add3A_971, %add3A_972 : i32
    %get3A_974 = arith.index_cast %add3A_973 : i32 to index
    %get3A_975 = tpu.vector_load %arg23[%get3A_974] {strides = array<i32>} : memref<16384xf32, #tpu.memory_space<vmem>>, vector<16xf32>,
    %add3A_976 = arith.constant 64 : i32
    %add3A_977 = vector.broadcast %add3A_976 : i32 to vector<16xi32>
    %add3A_978 = arith.addi %iota3A, %add3A_977 : vector<16xi32>
    %sub3A_979 = arith.subf %get3A_975, %broadcast_in_dim3A_730 : vector<16xf32>
    %mul3A_980 = arith.mulf %sub3A_979, %mul3A_729 : vector<16xf32>
    tpu.vector_store_idx %arg24[%add3A_978, %mul3A_733], %mul3A_980 : memref<128x1xf32, #tpu.memory_space<vmem>>[vector<16xi32>, vector<16xi32>], vector<16xf32>,
    %add3A_981 = arith.constant 256 : i32
    %add3A_982 = arith.addi %mul3A_2, %add3A_981 : i32
    %add3A_983 = arith.constant 80 : i32
    %add3A_984 = arith.addi %add3A_982, %add3A_983 : i32
    %get3A_985 = arith.index_cast %add3A_984 : i32 to index
    %get3A_986 = tpu.vector_load %arg23[%get3A_985] {strides = array<i32>} : memref<16384xf32, #tpu.memory_space<vmem>>, vector<16xf32>,
    %add3A_987 = arith.constant 80 : i32
    %add3A_988 = vector.broadcast %add3A_987 : i32 to vector<16xi32>
    %add3A_989 = arith.addi %iota3A, %add3A_988 : vector<16xi32>
    %sub3A_990 = arith.subf %get3A_986, %broadcast_in_dim3A_730 : vector<16xf32>
    %mul3A_991 = arith.mulf %sub3A_990, %mul3A_729 : vector<16xf32>
    tpu.vector_store_idx %arg24[%add3A_989, %mul3A_733], %mul3A_991 : memref<128x1xf32, #tpu.memory_space<vmem>>[vector<16xi32>, vector<16xi32>], vector<16xf32>,
    %add3A_992 = arith.constant 256 : i32
    %add3A_993 = arith.addi %mul3A_2, %add3A_992 : i32
    %add3A_994 = arith.constant 96 : i32
    %add3A_995 = arith.addi %add3A_993, %add3A_994 : i32
    %get3A_996 = arith.index_cast %add3A_995 : i32 to index
    %get3A_997 = tpu.vector_load %arg23[%get3A_996] {strides = array<i32>} : memref<16384xf32, #tpu.memory_space<vmem>>, vector<16xf32>,
    %add3A_998 = arith.constant 96 : i32
    %add3A_999 = vector.broadcast %add3A_998 : i32 to vector<16xi32>
    %add3A_1000 = arith.addi %iota3A, %add3A_999 : vector<16xi32>
    %sub3A_1001 = arith.subf %get3A_997, %broadcast_in_dim3A_730 : vector<16xf32>
    %mul3A_1002 = arith.mulf %sub3A_1001, %mul3A_729 : vector<16xf32>
    tpu.vector_store_idx %arg24[%add3A_1000, %mul3A_733], %mul3A_1002 : memref<128x1xf32, #tpu.memory_space<vmem>>[vector<16xi32>, vector<16xi32>], vector<16xf32>,
    %add3A_1003 = arith.constant 256 : i32
    %add3A_1004 = arith.addi %mul3A_2, %add3A_1003 : i32
    %add3A_1005 = arith.constant 112 : i32
    %add3A_1006 = arith.addi %add3A_1004, %add3A_1005 : i32
    %get3A_1007 = arith.index_cast %add3A_1006 : i32 to index
    %get3A_1008 = tpu.vector_load %arg23[%get3A_1007] {strides = array<i32>} : memref<16384xf32, #tpu.memory_space<vmem>>, vector<16xf32>,
    %add3A_1009 = arith.constant 112 : i32
    %add3A_1010 = vector.broadcast %add3A_1009 : i32 to vector<16xi32>
    %add3A_1011 = arith.addi %iota3A, %add3A_1010 : vector<16xi32>
    %sub3A_1012 = arith.subf %get3A_1008, %broadcast_in_dim3A_730 : vector<16xf32>
    %mul3A_1013 = arith.mulf %sub3A_1012, %mul3A_729 : vector<16xf32>
    tpu.vector_store_idx %arg24[%add3A_1011, %mul3A_733], %mul3A_1013 : memref<128x1xf32, #tpu.memory_space<vmem>>[vector<16xi32>, vector<16xi32>], vector<16xf32>,
    %add3A_1014 = arith.constant 256 : i32
    %add3A_1015 = arith.addi %mul3A_2, %add3A_1014 : i32
    %dma_start3A_1016 = arith.constant 0 : i32
    %dma_start3A_1017 = tpu.memref_slice %arg10[%add3A_1015, %dma_start3A_1016] : memref<16384x1xf32, #tpu.memory_space<hbm>> -> memref<128x1xf32, #tpu.memory_space<hbm>>
    %dma_start3A_1018 = arith.constant 0 : i32
    %dma_start3A_1019 = tpu.memref_slice %arg10[%add3A_1015, %dma_start3A_1018] : memref<16384x1xf32, #tpu.memory_space<hbm>> -> memref<128x1xf32, #tpu.memory_space<hbm>>
    tpu.enqueue_dma source(%arg24 : memref<128x1xf32, #tpu.memory_space<vmem>>) target(%dma_start3A_1019 : memref<128x1xf32, #tpu.memory_space<hbm>>) target_semaphore(%arg39 : memref<!tpu.dma_semaphore, #tpu.memory_space<semaphore_mem>>)
    %dma_wait3A_1020 = arith.constant 0 : i32
    %dma_wait3A_1021 = tpu.memref_slice %arg10[%add3A_917, %dma_wait3A_1020] : memref<16384x1xf32, #tpu.memory_space<hbm>> -> memref<128x1xf32, #tpu.memory_space<hbm>>
    %dma_wait3A_1022 = arith.constant 0 : i32
    %dma_wait3A_1023 = tpu.memref_slice %arg10[%add3A_917, %dma_wait3A_1022] : memref<16384x1xf32, #tpu.memory_space<hbm>> -> memref<128x1xf32, #tpu.memory_space<hbm>>
    tpu.wait_dma2 semaphore(%arg40 : memref<!tpu.dma_semaphore, #tpu.memory_space<semaphore_mem>>) src(%arg25 : memref<128x1xf32, #tpu.memory_space<vmem>>) dst(%dma_wait3A_1023 : memref<128x1xf32, #tpu.memory_space<hbm>>)
    %add3A_1024 = arith.constant 384 : i32
    %add3A_1025 = arith.addi %mul3A_2, %add3A_1024 : i32
    %add3A_1026 = arith.constant 0 : i32
    %add3A_1027 = arith.addi %add3A_1025, %add3A_1026 : i32
    %get3A_1028 = arith.index_cast %add3A_1027 : i32 to index
    %get3A_1029 = tpu.vector_load %arg23[%get3A_1028] {strides = array<i32>} : memref<16384xf32, #tpu.memory_space<vmem>>, vector<16xf32>,
    %add3A_1030 = arith.constant 0 : i32
    %add3A_1031 = vector.broadcast %add3A_1030 : i32 to vector<16xi32>
    %add3A_1032 = arith.addi %iota3A, %add3A_1031 : vector<16xi32>
    %sub3A_1033 = arith.subf %get3A_1029, %broadcast_in_dim3A_730 : vector<16xf32>
    %mul3A_1034 = arith.mulf %sub3A_1033, %mul3A_729 : vector<16xf32>
    tpu.vector_store_idx %arg25[%add3A_1032, %mul3A_733], %mul3A_1034 : memref<128x1xf32, #tpu.memory_space<vmem>>[vector<16xi32>, vector<16xi32>], vector<16xf32>,
    %add3A_1035 = arith.constant 384 : i32
    %add3A_1036 = arith.addi %mul3A_2, %add3A_1035 : i32
    %add3A_1037 = arith.constant 16 : i32
    %add3A_1038 = arith.addi %add3A_1036, %add3A_1037 : i32
    %get3A_1039 = arith.index_cast %add3A_1038 : i32 to index
    %get3A_1040 = tpu.vector_load %arg23[%get3A_1039] {strides = array<i32>} : memref<16384xf32, #tpu.memory_space<vmem>>, vector<16xf32>,
    %add3A_1041 = arith.constant 16 : i32
    %add3A_1042 = vector.broadcast %add3A_1041 : i32 to vector<16xi32>
    %add3A_1043 = arith.addi %iota3A, %add3A_1042 : vector<16xi32>
    %sub3A_1044 = arith.subf %get3A_1040, %broadcast_in_dim3A_730 : vector<16xf32>
    %mul3A_1045 = arith.mulf %sub3A_1044, %mul3A_729 : vector<16xf32>
    tpu.vector_store_idx %arg25[%add3A_1043, %mul3A_733], %mul3A_1045 : memref<128x1xf32, #tpu.memory_space<vmem>>[vector<16xi32>, vector<16xi32>], vector<16xf32>,
    %add3A_1046 = arith.constant 384 : i32
    %add3A_1047 = arith.addi %mul3A_2, %add3A_1046 : i32
    %add3A_1048 = arith.constant 32 : i32
    %add3A_1049 = arith.addi %add3A_1047, %add3A_1048 : i32
    %get3A_1050 = arith.index_cast %add3A_1049 : i32 to index
    %get3A_1051 = tpu.vector_load %arg23[%get3A_1050] {strides = array<i32>} : memref<16384xf32, #tpu.memory_space<vmem>>, vector<16xf32>,
    %add3A_1052 = arith.constant 32 : i32
    %add3A_1053 = vector.broadcast %add3A_1052 : i32 to vector<16xi32>
    %add3A_1054 = arith.addi %iota3A, %add3A_1053 : vector<16xi32>
    %sub3A_1055 = arith.subf %get3A_1051, %broadcast_in_dim3A_730 : vector<16xf32>
    %mul3A_1056 = arith.mulf %sub3A_1055, %mul3A_729 : vector<16xf32>
    tpu.vector_store_idx %arg25[%add3A_1054, %mul3A_733], %mul3A_1056 : memref<128x1xf32, #tpu.memory_space<vmem>>[vector<16xi32>, vector<16xi32>], vector<16xf32>,
    %add3A_1057 = arith.constant 384 : i32
    %add3A_1058 = arith.addi %mul3A_2, %add3A_1057 : i32
    %add3A_1059 = arith.constant 48 : i32
    %add3A_1060 = arith.addi %add3A_1058, %add3A_1059 : i32
    %get3A_1061 = arith.index_cast %add3A_1060 : i32 to index
    %get3A_1062 = tpu.vector_load %arg23[%get3A_1061] {strides = array<i32>} : memref<16384xf32, #tpu.memory_space<vmem>>, vector<16xf32>,
    %add3A_1063 = arith.constant 48 : i32
    %add3A_1064 = vector.broadcast %add3A_1063 : i32 to vector<16xi32>
    %add3A_1065 = arith.addi %iota3A, %add3A_1064 : vector<16xi32>
    %sub3A_1066 = arith.subf %get3A_1062, %broadcast_in_dim3A_730 : vector<16xf32>
    %mul3A_1067 = arith.mulf %sub3A_1066, %mul3A_729 : vector<16xf32>
    tpu.vector_store_idx %arg25[%add3A_1065, %mul3A_733], %mul3A_1067 : memref<128x1xf32, #tpu.memory_space<vmem>>[vector<16xi32>, vector<16xi32>], vector<16xf32>,
    %add3A_1068 = arith.constant 384 : i32
    %add3A_1069 = arith.addi %mul3A_2, %add3A_1068 : i32
    %add3A_1070 = arith.constant 64 : i32
    %add3A_1071 = arith.addi %add3A_1069, %add3A_1070 : i32
    %get3A_1072 = arith.index_cast %add3A_1071 : i32 to index
    %get3A_1073 = tpu.vector_load %arg23[%get3A_1072] {strides = array<i32>} : memref<16384xf32, #tpu.memory_space<vmem>>, vector<16xf32>,
    %add3A_1074 = arith.constant 64 : i32
    %add3A_1075 = vector.broadcast %add3A_1074 : i32 to vector<16xi32>
    %add3A_1076 = arith.addi %iota3A, %add3A_1075 : vector<16xi32>
    %sub3A_1077 = arith.subf %get3A_1073, %broadcast_in_dim3A_730 : vector<16xf32>
    %mul3A_1078 = arith.mulf %sub3A_1077, %mul3A_729 : vector<16xf32>
    tpu.vector_store_idx %arg25[%add3A_1076, %mul3A_733], %mul3A_1078 : memref<128x1xf32, #tpu.memory_space<vmem>>[vector<16xi32>, vector<16xi32>], vector<16xf32>,
    %add3A_1079 = arith.constant 384 : i32
    %add3A_1080 = arith.addi %mul3A_2, %add3A_1079 : i32
    %add3A_1081 = arith.constant 80 : i32
    %add3A_1082 = arith.addi %add3A_1080, %add3A_1081 : i32
    %get3A_1083 = arith.index_cast %add3A_1082 : i32 to index
    %get3A_1084 = tpu.vector_load %arg23[%get3A_1083] {strides = array<i32>} : memref<16384xf32, #tpu.memory_space<vmem>>, vector<16xf32>,
    %add3A_1085 = arith.constant 80 : i32
    %add3A_1086 = vector.broadcast %add3A_1085 : i32 to vector<16xi32>
    %add3A_1087 = arith.addi %iota3A, %add3A_1086 : vector<16xi32>
    %sub3A_1088 = arith.subf %get3A_1084, %broadcast_in_dim3A_730 : vector<16xf32>
    %mul3A_1089 = arith.mulf %sub3A_1088, %mul3A_729 : vector<16xf32>
    tpu.vector_store_idx %arg25[%add3A_1087, %mul3A_733], %mul3A_1089 : memref<128x1xf32, #tpu.memory_space<vmem>>[vector<16xi32>, vector<16xi32>], vector<16xf32>,
    %add3A_1090 = arith.constant 384 : i32
    %add3A_1091 = arith.addi %mul3A_2, %add3A_1090 : i32
    %add3A_1092 = arith.constant 96 : i32
    %add3A_1093 = arith.addi %add3A_1091, %add3A_1092 : i32
    %get3A_1094 = arith.index_cast %add3A_1093 : i32 to index
    %get3A_1095 = tpu.vector_load %arg23[%get3A_1094] {strides = array<i32>} : memref<16384xf32, #tpu.memory_space<vmem>>, vector<16xf32>,
    %add3A_1096 = arith.constant 96 : i32
    %add3A_1097 = vector.broadcast %add3A_1096 : i32 to vector<16xi32>
    %add3A_1098 = arith.addi %iota3A, %add3A_1097 : vector<16xi32>
    %sub3A_1099 = arith.subf %get3A_1095, %broadcast_in_dim3A_730 : vector<16xf32>
    %mul3A_1100 = arith.mulf %sub3A_1099, %mul3A_729 : vector<16xf32>
    tpu.vector_store_idx %arg25[%add3A_1098, %mul3A_733], %mul3A_1100 : memref<128x1xf32, #tpu.memory_space<vmem>>[vector<16xi32>, vector<16xi32>], vector<16xf32>,
    %add3A_1101 = arith.constant 384 : i32
    %add3A_1102 = arith.addi %mul3A_2, %add3A_1101 : i32
    %add3A_1103 = arith.constant 112 : i32
    %add3A_1104 = arith.addi %add3A_1102, %add3A_1103 : i32
    %get3A_1105 = arith.index_cast %add3A_1104 : i32 to index
    %get3A_1106 = tpu.vector_load %arg23[%get3A_1105] {strides = array<i32>} : memref<16384xf32, #tpu.memory_space<vmem>>, vector<16xf32>,
    %add3A_1107 = arith.constant 112 : i32
    %add3A_1108 = vector.broadcast %add3A_1107 : i32 to vector<16xi32>
    %add3A_1109 = arith.addi %iota3A, %add3A_1108 : vector<16xi32>
    %sub3A_1110 = arith.subf %get3A_1106, %broadcast_in_dim3A_730 : vector<16xf32>
    %mul3A_1111 = arith.mulf %sub3A_1110, %mul3A_729 : vector<16xf32>
    tpu.vector_store_idx %arg25[%add3A_1109, %mul3A_733], %mul3A_1111 : memref<128x1xf32, #tpu.memory_space<vmem>>[vector<16xi32>, vector<16xi32>], vector<16xf32>,
    %add3A_1112 = arith.constant 384 : i32
    %add3A_1113 = arith.addi %mul3A_2, %add3A_1112 : i32
    %dma_start3A_1114 = arith.constant 0 : i32
    %dma_start3A_1115 = tpu.memref_slice %arg10[%add3A_1113, %dma_start3A_1114] : memref<16384x1xf32, #tpu.memory_space<hbm>> -> memref<128x1xf32, #tpu.memory_space<hbm>>
    %dma_start3A_1116 = arith.constant 0 : i32
    %dma_start3A_1117 = tpu.memref_slice %arg10[%add3A_1113, %dma_start3A_1116] : memref<16384x1xf32, #tpu.memory_space<hbm>> -> memref<128x1xf32, #tpu.memory_space<hbm>>
    tpu.enqueue_dma source(%arg25 : memref<128x1xf32, #tpu.memory_space<vmem>>) target(%dma_start3A_1117 : memref<128x1xf32, #tpu.memory_space<hbm>>) target_semaphore(%arg40 : memref<!tpu.dma_semaphore, #tpu.memory_space<semaphore_mem>>)
    %dma_wait3A_1118 = arith.constant 0 : i32
    %dma_wait3A_1119 = tpu.memref_slice %arg15[%dma_wait3A_1118] : memref<512xi32, #tpu.memory_space<vmem>> -> memref<128xi32, #tpu.memory_space<vmem>>
    %dma_wait3A_1120 = arith.constant 0 : i32
    %dma_wait3A_1121 = arith.constant 0 : i32
    %dma_wait3A_1122 = tpu.memref_slice %arg17[%dma_wait3A_1120, %dma_wait3A_1121] : memref<100x128xf32, #tpu.memory_space<vmem_shared>> -> memref<100x128xf32, #tpu.memory_space<vmem_shared>>
    tpu.wait_indirect_dma semaphore(%arg30 : memref<!tpu.dma_semaphore, #tpu.memory_space<semaphore_mem>>) src(%dma_wait3A_1122 : memref<100x128xf32, #tpu.memory_space<vmem_shared>>) dst(%arg19 : memref<128x128xf32, #tpu.memory_space<vmem>>)
    %add3A_1123 = arith.constant 0 : i32
    %add3A_1124 = arith.addi %mul3A_2, %add3A_1123 : i32
    %dma_start3A_1125 = arith.constant 0 : i32
    %dma_start3A_1126 = tpu.memref_slice %arg9[%add3A_1124, %dma_start3A_1125] : memref<16384x256xf32, #tpu.memory_space<hbm>> -> memref<128x128xf32, #tpu.memory_space<hbm>>
    %dma_start3A_1127 = arith.constant 0 : i32
    %dma_start3A_1128 = tpu.memref_slice %arg9[%add3A_1124, %dma_start3A_1127] : memref<16384x256xf32, #tpu.memory_space<hbm>> -> memref<128x128xf32, #tpu.memory_space<hbm>>
    tpu.enqueue_dma source(%arg19 : memref<128x128xf32, #tpu.memory_space<vmem>>) target(%dma_start3A_1128 : memref<128x128xf32, #tpu.memory_space<hbm>>) target_semaphore(%arg34 : memref<!tpu.dma_semaphore, #tpu.memory_space<semaphore_mem>>)
    %dma_wait3A_1129 = arith.constant 0 : i32
    %dma_wait3A_1130 = tpu.memref_slice %arg16[%dma_wait3A_1129] : memref<512xi32, #tpu.memory_space<vmem>> -> memref<128xi32, #tpu.memory_space<vmem>>
    %dma_wait3A_1131 = arith.constant 0 : i32
    %dma_wait3A_1132 = arith.constant 0 : i32
    %dma_wait3A_1133 = tpu.memref_slice %arg18[%dma_wait3A_1131, %dma_wait3A_1132] : memref<100x128xf32, #tpu.memory_space<vmem_shared>> -> memref<100x128xf32, #tpu.memory_space<vmem_shared>>
    tpu.wait_indirect_dma semaphore(%arg32 : memref<!tpu.dma_semaphore, #tpu.memory_space<semaphore_mem>>) src(%dma_wait3A_1133 : memref<100x128xf32, #tpu.memory_space<vmem_shared>>) dst(%arg21 : memref<128x128xf32, #tpu.memory_space<vmem>>)
    %add3A_1134 = arith.constant 0 : i32
    %add3A_1135 = arith.addi %mul3A_2, %add3A_1134 : i32
    %dma_start3A_1136 = arith.constant 128 : i32
    %dma_start3A_1137 = tpu.memref_slice %arg9[%add3A_1135, %dma_start3A_1136] : memref<16384x256xf32, #tpu.memory_space<hbm>> -> memref<128x128xf32, #tpu.memory_space<hbm>>
    %dma_start3A_1138 = arith.constant 128 : i32
    %dma_start3A_1139 = tpu.memref_slice %arg9[%add3A_1135, %dma_start3A_1138] : memref<16384x256xf32, #tpu.memory_space<hbm>> -> memref<128x128xf32, #tpu.memory_space<hbm>>
    tpu.enqueue_dma source(%arg21 : memref<128x128xf32, #tpu.memory_space<vmem>>) target(%dma_start3A_1139 : memref<128x128xf32, #tpu.memory_space<hbm>>) target_semaphore(%arg36 : memref<!tpu.dma_semaphore, #tpu.memory_space<semaphore_mem>>)
    %dma_start3A_1140 = arith.constant 128 : i32
    %dma_start3A_1141 = tpu.memref_slice %arg15[%dma_start3A_1140] : memref<512xi32, #tpu.memory_space<vmem>> -> memref<128xi32, #tpu.memory_space<vmem>>
    %dma_start3A_1142 = arith.constant 0 : i32
    %dma_start3A_1143 = arith.constant 0 : i32
    %dma_start3A_1144 = tpu.memref_slice %arg17[%dma_start3A_1142, %dma_start3A_1143] : memref<100x128xf32, #tpu.memory_space<vmem_shared>> -> memref<100x128xf32, #tpu.memory_space<vmem_shared>>
    tpu.enqueue_indirect_dma source(%dma_start3A_1144 : memref<100x128xf32, #tpu.memory_space<vmem_shared>>) target(%arg20 : memref<128x128xf32, #tpu.memory_space<vmem>>) offsets(%dma_start3A_1141 : memref<128xi32, #tpu.memory_space<vmem>>) semaphore(%arg31 : memref<!tpu.dma_semaphore, #tpu.memory_space<semaphore_mem>>)
    %dma_start3A_1145 = arith.constant 128 : i32
    %dma_start3A_1146 = tpu.memref_slice %arg16[%dma_start3A_1145] : memref<512xi32, #tpu.memory_space<vmem>> -> memref<128xi32, #tpu.memory_space<vmem>>
    %dma_start3A_1147 = arith.constant 0 : i32
    %dma_start3A_1148 = arith.constant 0 : i32
    %dma_start3A_1149 = tpu.memref_slice %arg18[%dma_start3A_1147, %dma_start3A_1148] : memref<100x128xf32, #tpu.memory_space<vmem_shared>> -> memref<100x128xf32, #tpu.memory_space<vmem_shared>>
    tpu.enqueue_indirect_dma source(%dma_start3A_1149 : memref<100x128xf32, #tpu.memory_space<vmem_shared>>) target(%arg22 : memref<128x128xf32, #tpu.memory_space<vmem>>) offsets(%dma_start3A_1146 : memref<128xi32, #tpu.memory_space<vmem>>) semaphore(%arg33 : memref<!tpu.dma_semaphore, #tpu.memory_space<semaphore_mem>>)
    %dma_wait3A_1150 = arith.constant 128 : i32
    %dma_wait3A_1151 = tpu.memref_slice %arg15[%dma_wait3A_1150] : memref<512xi32, #tpu.memory_space<vmem>> -> memref<128xi32, #tpu.memory_space<vmem>>
    %dma_wait3A_1152 = arith.constant 0 : i32
    %dma_wait3A_1153 = arith.constant 0 : i32
    %dma_wait3A_1154 = tpu.memref_slice %arg17[%dma_wait3A_1152, %dma_wait3A_1153] : memref<100x128xf32, #tpu.memory_space<vmem_shared>> -> memref<100x128xf32, #tpu.memory_space<vmem_shared>>
    tpu.wait_indirect_dma semaphore(%arg31 : memref<!tpu.dma_semaphore, #tpu.memory_space<semaphore_mem>>) src(%dma_wait3A_1154 : memref<100x128xf32, #tpu.memory_space<vmem_shared>>) dst(%arg20 : memref<128x128xf32, #tpu.memory_space<vmem>>)
    %add3A_1155 = arith.constant 128 : i32
    %add3A_1156 = arith.addi %mul3A_2, %add3A_1155 : i32
    %dma_start3A_1157 = arith.constant 0 : i32
    %dma_start3A_1158 = tpu.memref_slice %arg9[%add3A_1156, %dma_start3A_1157] : memref<16384x256xf32, #tpu.memory_space<hbm>> -> memref<128x128xf32, #tpu.memory_space<hbm>>
    %dma_start3A_1159 = arith.constant 0 : i32
    %dma_start3A_1160 = tpu.memref_slice %arg9[%add3A_1156, %dma_start3A_1159] : memref<16384x256xf32, #tpu.memory_space<hbm>> -> memref<128x128xf32, #tpu.memory_space<hbm>>
    tpu.enqueue_dma source(%arg20 : memref<128x128xf32, #tpu.memory_space<vmem>>) target(%dma_start3A_1160 : memref<128x128xf32, #tpu.memory_space<hbm>>) target_semaphore(%arg35 : memref<!tpu.dma_semaphore, #tpu.memory_space<semaphore_mem>>)
    %dma_wait3A_1161 = arith.constant 128 : i32
    %dma_wait3A_1162 = tpu.memref_slice %arg16[%dma_wait3A_1161] : memref<512xi32, #tpu.memory_space<vmem>> -> memref<128xi32, #tpu.memory_space<vmem>>
    %dma_wait3A_1163 = arith.constant 0 : i32
    %dma_wait3A_1164 = arith.constant 0 : i32
    %dma_wait3A_1165 = tpu.memref_slice %arg18[%dma_wait3A_1163, %dma_wait3A_1164] : memref<100x128xf32, #tpu.memory_space<vmem_shared>> -> memref<100x128xf32, #tpu.memory_space<vmem_shared>>
    tpu.wait_indirect_dma semaphore(%arg33 : memref<!tpu.dma_semaphore, #tpu.memory_space<semaphore_mem>>) src(%dma_wait3A_1165 : memref<100x128xf32, #tpu.memory_space<vmem_shared>>) dst(%arg22 : memref<128x128xf32, #tpu.memory_space<vmem>>)
    %add3A_1166 = arith.constant 128 : i32
    %add3A_1167 = arith.addi %mul3A_2, %add3A_1166 : i32
    %dma_start3A_1168 = arith.constant 128 : i32
    %dma_start3A_1169 = tpu.memref_slice %arg9[%add3A_1167, %dma_start3A_1168] : memref<16384x256xf32, #tpu.memory_space<hbm>> -> memref<128x128xf32, #tpu.memory_space<hbm>>
    %dma_start3A_1170 = arith.constant 128 : i32
    %dma_start3A_1171 = tpu.memref_slice %arg9[%add3A_1167, %dma_start3A_1170] : memref<16384x256xf32, #tpu.memory_space<hbm>> -> memref<128x128xf32, #tpu.memory_space<hbm>>
    tpu.enqueue_dma source(%arg22 : memref<128x128xf32, #tpu.memory_space<vmem>>) target(%dma_start3A_1171 : memref<128x128xf32, #tpu.memory_space<hbm>>) target_semaphore(%arg37 : memref<!tpu.dma_semaphore, #tpu.memory_space<semaphore_mem>>)
    %dma_wait3A_1172 = arith.constant 0 : i32
    %dma_wait3A_1173 = tpu.memref_slice %arg9[%add3A_1124, %dma_wait3A_1172] : memref<16384x256xf32, #tpu.memory_space<hbm>> -> memref<128x128xf32, #tpu.memory_space<hbm>>
    %dma_wait3A_1174 = arith.constant 0 : i32
    %dma_wait3A_1175 = tpu.memref_slice %arg9[%add3A_1124, %dma_wait3A_1174] : memref<16384x256xf32, #tpu.memory_space<hbm>> -> memref<128x128xf32, #tpu.memory_space<hbm>>
    tpu.wait_dma2 semaphore(%arg34 : memref<!tpu.dma_semaphore, #tpu.memory_space<semaphore_mem>>) src(%arg19 : memref<128x128xf32, #tpu.memory_space<vmem>>) dst(%dma_wait3A_1175 : memref<128x128xf32, #tpu.memory_space<hbm>>)
    %dma_start3A_1176 = arith.constant 256 : i32
    %dma_start3A_1177 = tpu.memref_slice %arg15[%dma_start3A_1176] : memref<512xi32, #tpu.memory_space<vmem>> -> memref<128xi32, #tpu.memory_space<vmem>>
    %dma_start3A_1178 = arith.constant 0 : i32
    %dma_start3A_1179 = arith.constant 0 : i32
    %dma_start3A_1180 = tpu.memref_slice %arg17[%dma_start3A_1178, %dma_start3A_1179] : memref<100x128xf32, #tpu.memory_space<vmem_shared>> -> memref<100x128xf32, #tpu.memory_space<vmem_shared>>
    tpu.enqueue_indirect_dma source(%dma_start3A_1180 : memref<100x128xf32, #tpu.memory_space<vmem_shared>>) target(%arg19 : memref<128x128xf32, #tpu.memory_space<vmem>>) offsets(%dma_start3A_1177 : memref<128xi32, #tpu.memory_space<vmem>>) semaphore(%arg30 : memref<!tpu.dma_semaphore, #tpu.memory_space<semaphore_mem>>)
    %dma_wait3A_1181 = arith.constant 128 : i32
    %dma_wait3A_1182 = tpu.memref_slice %arg9[%add3A_1135, %dma_wait3A_1181] : memref<16384x256xf32, #tpu.memory_space<hbm>> -> memref<128x128xf32, #tpu.memory_space<hbm>>
    %dma_wait3A_1183 = arith.constant 128 : i32
    %dma_wait3A_1184 = tpu.memref_slice %arg9[%add3A_1135, %dma_wait3A_1183] : memref<16384x256xf32, #tpu.memory_space<hbm>> -> memref<128x128xf32, #tpu.memory_space<hbm>>
    tpu.wait_dma2 semaphore(%arg36 : memref<!tpu.dma_semaphore, #tpu.memory_space<semaphore_mem>>) src(%arg21 : memref<128x128xf32, #tpu.memory_space<vmem>>) dst(%dma_wait3A_1184 : memref<128x128xf32, #tpu.memory_space<hbm>>)
    %dma_start3A_1185 = arith.constant 256 : i32
    %dma_start3A_1186 = tpu.memref_slice %arg16[%dma_start3A_1185] : memref<512xi32, #tpu.memory_space<vmem>> -> memref<128xi32, #tpu.memory_space<vmem>>
    %dma_start3A_1187 = arith.constant 0 : i32
    %dma_start3A_1188 = arith.constant 0 : i32
    %dma_start3A_1189 = tpu.memref_slice %arg18[%dma_start3A_1187, %dma_start3A_1188] : memref<100x128xf32, #tpu.memory_space<vmem_shared>> -> memref<100x128xf32, #tpu.memory_space<vmem_shared>>
    tpu.enqueue_indirect_dma source(%dma_start3A_1189 : memref<100x128xf32, #tpu.memory_space<vmem_shared>>) target(%arg21 : memref<128x128xf32, #tpu.memory_space<vmem>>) offsets(%dma_start3A_1186 : memref<128xi32, #tpu.memory_space<vmem>>) semaphore(%arg32 : memref<!tpu.dma_semaphore, #tpu.memory_space<semaphore_mem>>)
    %dma_wait3A_1190 = arith.constant 256 : i32
    %dma_wait3A_1191 = tpu.memref_slice %arg15[%dma_wait3A_1190] : memref<512xi32, #tpu.memory_space<vmem>> -> memref<128xi32, #tpu.memory_space<vmem>>
    %dma_wait3A_1192 = arith.constant 0 : i32
    %dma_wait3A_1193 = arith.constant 0 : i32
    %dma_wait3A_1194 = tpu.memref_slice %arg17[%dma_wait3A_1192, %dma_wait3A_1193] : memref<100x128xf32, #tpu.memory_space<vmem_shared>> -> memref<100x128xf32, #tpu.memory_space<vmem_shared>>
    tpu.wait_indirect_dma semaphore(%arg30 : memref<!tpu.dma_semaphore, #tpu.memory_space<semaphore_mem>>) src(%dma_wait3A_1194 : memref<100x128xf32, #tpu.memory_space<vmem_shared>>) dst(%arg19 : memref<128x128xf32, #tpu.memory_space<vmem>>)
    %add3A_1195 = arith.constant 256 : i32
    %add3A_1196 = arith.addi %mul3A_2, %add3A_1195 : i32
    %dma_start3A_1197 = arith.constant 0 : i32
    %dma_start3A_1198 = tpu.memref_slice %arg9[%add3A_1196, %dma_start3A_1197] : memref<16384x256xf32, #tpu.memory_space<hbm>> -> memref<128x128xf32, #tpu.memory_space<hbm>>
    %dma_start3A_1199 = arith.constant 0 : i32
    %dma_start3A_1200 = tpu.memref_slice %arg9[%add3A_1196, %dma_start3A_1199] : memref<16384x256xf32, #tpu.memory_space<hbm>> -> memref<128x128xf32, #tpu.memory_space<hbm>>
    tpu.enqueue_dma source(%arg19 : memref<128x128xf32, #tpu.memory_space<vmem>>) target(%dma_start3A_1200 : memref<128x128xf32, #tpu.memory_space<hbm>>) target_semaphore(%arg34 : memref<!tpu.dma_semaphore, #tpu.memory_space<semaphore_mem>>)
    %dma_wait3A_1201 = arith.constant 256 : i32
    %dma_wait3A_1202 = tpu.memref_slice %arg16[%dma_wait3A_1201] : memref<512xi32, #tpu.memory_space<vmem>> -> memref<128xi32, #tpu.memory_space<vmem>>
    %dma_wait3A_1203 = arith.constant 0 : i32
    %dma_wait3A_1204 = arith.constant 0 : i32
    %dma_wait3A_1205 = tpu.memref_slice %arg18[%dma_wait3A_1203, %dma_wait3A_1204] : memref<100x128xf32, #tpu.memory_space<vmem_shared>> -> memref<100x128xf32, #tpu.memory_space<vmem_shared>>
    tpu.wait_indirect_dma semaphore(%arg32 : memref<!tpu.dma_semaphore, #tpu.memory_space<semaphore_mem>>) src(%dma_wait3A_1205 : memref<100x128xf32, #tpu.memory_space<vmem_shared>>) dst(%arg21 : memref<128x128xf32, #tpu.memory_space<vmem>>)
    %add3A_1206 = arith.constant 256 : i32
    %add3A_1207 = arith.addi %mul3A_2, %add3A_1206 : i32
    %dma_start3A_1208 = arith.constant 128 : i32
    %dma_start3A_1209 = tpu.memref_slice %arg9[%add3A_1207, %dma_start3A_1208] : memref<16384x256xf32, #tpu.memory_space<hbm>> -> memref<128x128xf32, #tpu.memory_space<hbm>>
    %dma_start3A_1210 = arith.constant 128 : i32
    %dma_start3A_1211 = tpu.memref_slice %arg9[%add3A_1207, %dma_start3A_1210] : memref<16384x256xf32, #tpu.memory_space<hbm>> -> memref<128x128xf32, #tpu.memory_space<hbm>>
    tpu.enqueue_dma source(%arg21 : memref<128x128xf32, #tpu.memory_space<vmem>>) target(%dma_start3A_1211 : memref<128x128xf32, #tpu.memory_space<hbm>>) target_semaphore(%arg36 : memref<!tpu.dma_semaphore, #tpu.memory_space<semaphore_mem>>)
    %dma_wait3A_1212 = arith.constant 0 : i32
    %dma_wait3A_1213 = tpu.memref_slice %arg9[%add3A_1156, %dma_wait3A_1212] : memref<16384x256xf32, #tpu.memory_space<hbm>> -> memref<128x128xf32, #tpu.memory_space<hbm>>
    %dma_wait3A_1214 = arith.constant 0 : i32
    %dma_wait3A_1215 = tpu.memref_slice %arg9[%add3A_1156, %dma_wait3A_1214] : memref<16384x256xf32, #tpu.memory_space<hbm>> -> memref<128x128xf32, #tpu.memory_space<hbm>>
    tpu.wait_dma2 semaphore(%arg35 : memref<!tpu.dma_semaphore, #tpu.memory_space<semaphore_mem>>) src(%arg20 : memref<128x128xf32, #tpu.memory_space<vmem>>) dst(%dma_wait3A_1215 : memref<128x128xf32, #tpu.memory_space<hbm>>)
    %dma_start3A_1216 = arith.constant 384 : i32
    %dma_start3A_1217 = tpu.memref_slice %arg15[%dma_start3A_1216] : memref<512xi32, #tpu.memory_space<vmem>> -> memref<128xi32, #tpu.memory_space<vmem>>
    %dma_start3A_1218 = arith.constant 0 : i32
    %dma_start3A_1219 = arith.constant 0 : i32
    %dma_start3A_1220 = tpu.memref_slice %arg17[%dma_start3A_1218, %dma_start3A_1219] : memref<100x128xf32, #tpu.memory_space<vmem_shared>> -> memref<100x128xf32, #tpu.memory_space<vmem_shared>>
    tpu.enqueue_indirect_dma source(%dma_start3A_1220 : memref<100x128xf32, #tpu.memory_space<vmem_shared>>) target(%arg20 : memref<128x128xf32, #tpu.memory_space<vmem>>) offsets(%dma_start3A_1217 : memref<128xi32, #tpu.memory_space<vmem>>) semaphore(%arg31 : memref<!tpu.dma_semaphore, #tpu.memory_space<semaphore_mem>>)
    %dma_wait3A_1221 = arith.constant 128 : i32
    %dma_wait3A_1222 = tpu.memref_slice %arg9[%add3A_1167, %dma_wait3A_1221] : memref<16384x256xf32, #tpu.memory_space<hbm>> -> memref<128x128xf32, #tpu.memory_space<hbm>>
    %dma_wait3A_1223 = arith.constant 128 : i32
    %dma_wait3A_1224 = tpu.memref_slice %arg9[%add3A_1167, %dma_wait3A_1223] : memref<16384x256xf32, #tpu.memory_space<hbm>> -> memref<128x128xf32, #tpu.memory_space<hbm>>
    tpu.wait_dma2 semaphore(%arg37 : memref<!tpu.dma_semaphore, #tpu.memory_space<semaphore_mem>>) src(%arg22 : memref<128x128xf32, #tpu.memory_space<vmem>>) dst(%dma_wait3A_1224 : memref<128x128xf32, #tpu.memory_space<hbm>>)
    %dma_start3A_1225 = arith.constant 384 : i32
    %dma_start3A_1226 = tpu.memref_slice %arg16[%dma_start3A_1225] : memref<512xi32, #tpu.memory_space<vmem>> -> memref<128xi32, #tpu.memory_space<vmem>>
    %dma_start3A_1227 = arith.constant 0 : i32
    %dma_start3A_1228 = arith.constant 0 : i32
    %dma_start3A_1229 = tpu.memref_slice %arg18[%dma_start3A_1227, %dma_start3A_1228] : memref<100x128xf32, #tpu.memory_space<vmem_shared>> -> memref<100x128xf32, #tpu.memory_space<vmem_shared>>
    tpu.enqueue_indirect_dma source(%dma_start3A_1229 : memref<100x128xf32, #tpu.memory_space<vmem_shared>>) target(%arg22 : memref<128x128xf32, #tpu.memory_space<vmem>>) offsets(%dma_start3A_1226 : memref<128xi32, #tpu.memory_space<vmem>>) semaphore(%arg33 : memref<!tpu.dma_semaphore, #tpu.memory_space<semaphore_mem>>)
    %dma_wait3A_1230 = arith.constant 384 : i32
    %dma_wait3A_1231 = tpu.memref_slice %arg15[%dma_wait3A_1230] : memref<512xi32, #tpu.memory_space<vmem>> -> memref<128xi32, #tpu.memory_space<vmem>>
    %dma_wait3A_1232 = arith.constant 0 : i32
    %dma_wait3A_1233 = arith.constant 0 : i32
    %dma_wait3A_1234 = tpu.memref_slice %arg17[%dma_wait3A_1232, %dma_wait3A_1233] : memref<100x128xf32, #tpu.memory_space<vmem_shared>> -> memref<100x128xf32, #tpu.memory_space<vmem_shared>>
    tpu.wait_indirect_dma semaphore(%arg31 : memref<!tpu.dma_semaphore, #tpu.memory_space<semaphore_mem>>) src(%dma_wait3A_1234 : memref<100x128xf32, #tpu.memory_space<vmem_shared>>) dst(%arg20 : memref<128x128xf32, #tpu.memory_space<vmem>>)
    %add3A_1235 = arith.constant 384 : i32
    %add3A_1236 = arith.addi %mul3A_2, %add3A_1235 : i32
    %dma_start3A_1237 = arith.constant 0 : i32
    %dma_start3A_1238 = tpu.memref_slice %arg9[%add3A_1236, %dma_start3A_1237] : memref<16384x256xf32, #tpu.memory_space<hbm>> -> memref<128x128xf32, #tpu.memory_space<hbm>>
    %dma_start3A_1239 = arith.constant 0 : i32
    %dma_start3A_1240 = tpu.memref_slice %arg9[%add3A_1236, %dma_start3A_1239] : memref<16384x256xf32, #tpu.memory_space<hbm>> -> memref<128x128xf32, #tpu.memory_space<hbm>>
    tpu.enqueue_dma source(%arg20 : memref<128x128xf32, #tpu.memory_space<vmem>>) target(%dma_start3A_1240 : memref<128x128xf32, #tpu.memory_space<hbm>>) target_semaphore(%arg35 : memref<!tpu.dma_semaphore, #tpu.memory_space<semaphore_mem>>)
    %dma_wait3A_1241 = arith.constant 384 : i32
    %dma_wait3A_1242 = tpu.memref_slice %arg16[%dma_wait3A_1241] : memref<512xi32, #tpu.memory_space<vmem>> -> memref<128xi32, #tpu.memory_space<vmem>>
    %dma_wait3A_1243 = arith.constant 0 : i32
    %dma_wait3A_1244 = arith.constant 0 : i32
    %dma_wait3A_1245 = tpu.memref_slice %arg18[%dma_wait3A_1243, %dma_wait3A_1244] : memref<100x128xf32, #tpu.memory_space<vmem_shared>> -> memref<100x128xf32, #tpu.memory_space<vmem_shared>>
    tpu.wait_indirect_dma semaphore(%arg33 : memref<!tpu.dma_semaphore, #tpu.memory_space<semaphore_mem>>) src(%dma_wait3A_1245 : memref<100x128xf32, #tpu.memory_space<vmem_shared>>) dst(%arg22 : memref<128x128xf32, #tpu.memory_space<vmem>>)
    %add3A_1246 = arith.constant 384 : i32
    %add3A_1247 = arith.addi %mul3A_2, %add3A_1246 : i32
    %dma_start3A_1248 = arith.constant 128 : i32
    %dma_start3A_1249 = tpu.memref_slice %arg9[%add3A_1247, %dma_start3A_1248] : memref<16384x256xf32, #tpu.memory_space<hbm>> -> memref<128x128xf32, #tpu.memory_space<hbm>>
    %dma_start3A_1250 = arith.constant 128 : i32
    %dma_start3A_1251 = tpu.memref_slice %arg9[%add3A_1247, %dma_start3A_1250] : memref<16384x256xf32, #tpu.memory_space<hbm>> -> memref<128x128xf32, #tpu.memory_space<hbm>>
    tpu.enqueue_dma source(%arg22 : memref<128x128xf32, #tpu.memory_space<vmem>>) target(%dma_start3A_1251 : memref<128x128xf32, #tpu.memory_space<hbm>>) target_semaphore(%arg37 : memref<!tpu.dma_semaphore, #tpu.memory_space<semaphore_mem>>)
    %dma_wait3A_1252 = arith.constant 0 : i32
    %dma_wait3A_1253 = tpu.memref_slice %arg9[%add3A_1196, %dma_wait3A_1252] : memref<16384x256xf32, #tpu.memory_space<hbm>> -> memref<128x128xf32, #tpu.memory_space<hbm>>
    %dma_wait3A_1254 = arith.constant 0 : i32
    %dma_wait3A_1255 = tpu.memref_slice %arg9[%add3A_1196, %dma_wait3A_1254] : memref<16384x256xf32, #tpu.memory_space<hbm>> -> memref<128x128xf32, #tpu.memory_space<hbm>>
    tpu.wait_dma2 semaphore(%arg34 : memref<!tpu.dma_semaphore, #tpu.memory_space<semaphore_mem>>) src(%arg19 : memref<128x128xf32, #tpu.memory_space<vmem>>) dst(%dma_wait3A_1255 : memref<128x128xf32, #tpu.memory_space<hbm>>)
    %dma_wait3A_1256 = arith.constant 0 : i32
    %dma_wait3A_1257 = tpu.memref_slice %arg9[%add3A_1236, %dma_wait3A_1256] : memref<16384x256xf32, #tpu.memory_space<hbm>> -> memref<128x128xf32, #tpu.memory_space<hbm>>
    %dma_wait3A_1258 = arith.constant 0 : i32
    %dma_wait3A_1259 = tpu.memref_slice %arg9[%add3A_1236, %dma_wait3A_1258] : memref<16384x256xf32, #tpu.memory_space<hbm>> -> memref<128x128xf32, #tpu.memory_space<hbm>>
    tpu.wait_dma2 semaphore(%arg35 : memref<!tpu.dma_semaphore, #tpu.memory_space<semaphore_mem>>) src(%arg20 : memref<128x128xf32, #tpu.memory_space<vmem>>) dst(%dma_wait3A_1259 : memref<128x128xf32, #tpu.memory_space<hbm>>)
    %dma_wait3A_1260 = arith.constant 128 : i32
    %dma_wait3A_1261 = tpu.memref_slice %arg9[%add3A_1207, %dma_wait3A_1260] : memref<16384x256xf32, #tpu.memory_space<hbm>> -> memref<128x128xf32, #tpu.memory_space<hbm>>
    %dma_wait3A_1262 = arith.constant 128 : i32
    %dma_wait3A_1263 = tpu.memref_slice %arg9[%add3A_1207, %dma_wait3A_1262] : memref<16384x256xf32, #tpu.memory_space<hbm>> -> memref<128x128xf32, #tpu.memory_space<hbm>>
    tpu.wait_dma2 semaphore(%arg36 : memref<!tpu.dma_semaphore, #tpu.memory_space<semaphore_mem>>) src(%arg21 : memref<128x128xf32, #tpu.memory_space<vmem>>) dst(%dma_wait3A_1263 : memref<128x128xf32, #tpu.memory_space<hbm>>)
    %dma_wait3A_1264 = arith.constant 128 : i32
    %dma_wait3A_1265 = tpu.memref_slice %arg9[%add3A_1247, %dma_wait3A_1264] : memref<16384x256xf32, #tpu.memory_space<hbm>> -> memref<128x128xf32, #tpu.memory_space<hbm>>
    %dma_wait3A_1266 = arith.constant 128 : i32
    %dma_wait3A_1267 = tpu.memref_slice %arg9[%add3A_1247, %dma_wait3A_1266] : memref<16384x256xf32, #tpu.memory_space<hbm>> -> memref<128x128xf32, #tpu.memory_space<hbm>>
    tpu.wait_dma2 semaphore(%arg37 : memref<!tpu.dma_semaphore, #tpu.memory_space<semaphore_mem>>) src(%arg22 : memref<128x128xf32, #tpu.memory_space<vmem>>) dst(%dma_wait3A_1267 : memref<128x128xf32, #tpu.memory_space<hbm>>)
    %dma_wait3A_1268 = arith.constant 0 : i32
    %dma_wait3A_1269 = tpu.memref_slice %arg10[%add3A_1015, %dma_wait3A_1268] : memref<16384x1xf32, #tpu.memory_space<hbm>> -> memref<128x1xf32, #tpu.memory_space<hbm>>
    %dma_wait3A_1270 = arith.constant 0 : i32
    %dma_wait3A_1271 = tpu.memref_slice %arg10[%add3A_1015, %dma_wait3A_1270] : memref<16384x1xf32, #tpu.memory_space<hbm>> -> memref<128x1xf32, #tpu.memory_space<hbm>>
    tpu.wait_dma2 semaphore(%arg39 : memref<!tpu.dma_semaphore, #tpu.memory_space<semaphore_mem>>) src(%arg24 : memref<128x1xf32, #tpu.memory_space<vmem>>) dst(%dma_wait3A_1271 : memref<128x1xf32, #tpu.memory_space<hbm>>)
    %dma_wait3A_1272 = arith.constant 0 : i32
    %dma_wait3A_1273 = tpu.memref_slice %arg10[%add3A_1113, %dma_wait3A_1272] : memref<16384x1xf32, #tpu.memory_space<hbm>> -> memref<128x1xf32, #tpu.memory_space<hbm>>
    %dma_wait3A_1274 = arith.constant 0 : i32
    %dma_wait3A_1275 = tpu.memref_slice %arg10[%add3A_1113, %dma_wait3A_1274] : memref<16384x1xf32, #tpu.memory_space<hbm>> -> memref<128x1xf32, #tpu.memory_space<hbm>>
    tpu.wait_dma2 semaphore(%arg40 : memref<!tpu.dma_semaphore, #tpu.memory_space<semaphore_mem>>) src(%arg25 : memref<128x1xf32, #tpu.memory_space<vmem>>) dst(%dma_wait3A_1275 : memref<128x1xf32, #tpu.memory_space<hbm>>)
    return
  }
}

module attributes {stable_mosaic.version = 14 : i64} {
  func.func @_assemble_body(%arg0: i32, %arg1: memref<4096x256xf32, #tpu.memory_space<vmem>>, %arg2: memref<4096x1xf32, #tpu.memory_space<vmem>>, %arg3: memref<4096x257xf32, #tpu.memory_space<vmem>>) attributes {dimension_semantics = [#tpu.dimension_semantics<arbitrary>], iteration_bounds = array<i64: 4>, scalar_prefetch = 0 : i64, scratch_operands = 0 : i64, tpu.core_type = #tpu.core_type<tc>, window_params = [{transform_indices = @transform_0, window_bounds = array<i64: 4096, 256>}, {transform_indices = @transform_1, window_bounds = array<i64: 4096, 1>}, {transform_indices = @transform_2, window_bounds = array<i64: 4096, 257>}]} {
    %get3A = arith.constant 0 : index
    %get3A_0 = arith.constant 0 : index
    %get3A_1 = vector.load %arg1[%get3A, %get3A_0] : memref<4096x256xf32, #tpu.memory_space<vmem>>, vector<4096x256xf32>
    %swap3A = arith.constant 0 : index
    %swap3A_2 = arith.constant 0 : index
    %swap3A_3 = vector.load %arg3[%swap3A, %swap3A_2] : memref<4096x257xf32, #tpu.memory_space<vmem>>, vector<4096x256xf32>
    tpu.vector_store %arg3[%swap3A, %swap3A_2], %get3A_1 {strides = array<i32>} : memref<4096x257xf32, #tpu.memory_space<vmem>>, vector<4096x256xf32>,
    %get3A_4 = arith.constant 0 : index
    %get3A_5 = arith.constant 0 : index
    %get3A_6 = vector.load %arg2[%get3A_4, %get3A_5] : memref<4096x1xf32, #tpu.memory_space<vmem>>, vector<4096x1xf32>
    %swap3A_7 = arith.constant 0 : index
    %swap3A_8 = arith.constant 256 : index
    %swap3A_9 = vector.load %arg3[%swap3A_7, %swap3A_8] : memref<4096x257xf32, #tpu.memory_space<vmem>>, vector<4096x1xf32>
    tpu.vector_store %arg3[%swap3A_7, %swap3A_8], %get3A_6 {strides = array<i32>} : memref<4096x257xf32, #tpu.memory_space<vmem>>, vector<4096x1xf32>,
    return
  }
  func.func @transform_0(%arg0: i32) -> (i32, i32) {
    %c0_i32 = arith.constant 0 : i32
    %c0_i32_0 = arith.constant 0 : i32
    return %arg0, %c0_i32 : i32, i32
  }
  func.func @transform_1(%arg0: i32) -> (i32, i32) {
    %c0_i32 = arith.constant 0 : i32
    %c0_i32_0 = arith.constant 0 : i32
    return %arg0, %c0_i32 : i32, i32
  }
  func.func @transform_2(%arg0: i32) -> (i32, i32) {
    %c0_i32 = arith.constant 0 : i32
    %c0_i32_0 = arith.constant 0 : i32
    return %arg0, %c0_i32 : i32, i32
  }
}

</mosaic_0001>

<sc_bundles>
// kernel: kernel.4.cloned.1.call-start
scs
__scs_entry_jumppad:
0x0: {  	(pc) =	sbr.rel $0x88, $3  }
0x1: {  	(tag) =	ssettag $0x0;
	lr =	simm.s32 $0x1  }
0x2: {  	[smem:$0x3F98] =	sst lr;
	_ =	strace $0xD0000000  }
0x3: {  	_ = 	snop  }
0x4: {  	_ = 	snop  }
0x5: {  	_ = 	snop  }
0x6: {  	_ = 	snop  }
0x7: {  	_ = 	snop  }
__scs_overlays_trampoline_lowered:
0x8: {  	[smem:$0x3FA7] =	sst s0  }
0x9: {  	[smem:$0x3FA8] =	sst s1  }
0xa: {  	[smem:$0x3FA9] =	sst s2  }
0xb: {  	[smem:$0x3FAA] =	sst s3  }
0xc: {  	[smem:$0x3FAB] =	sst s4  }
0xd: {  	[smem:$0x3FAC] =	sst s5  }
0xe: {  	[smem:$0x3FAD] =	sst s6  }
0xf: {  	[smem:$0x3FAE] =	sst s7  }
0x10: {  	[smem:$0x3FAF] =	sst s8  }
0x11: {  	[smem:$0x3FB0] =	sst s9;
	s0 =	simm.s32 @!p0 $0x0  }
0x12: {  	s1 =	sld [smem:$0x3F96];
	s0 =	simm.s32 @p0 $0x1  }
0x13: {  	[smem:$0x3FB1] =	sst s0;
	s0 =	simm.s32 @!p1 $0x0  }
0x14: {  	s2 =	sld [smem:$0x3F95];
	s0 =	simm.s32 @p1 $0x1  }
0x15: {  	[smem:$0x3FB2] =	sst s0;
	s0 =	simm.s32 @!p2 $0x0  }
0x16: {  	s3 =	sld [smem:$0x3FDB];
	s0 =	simm.s32 @p2 $0x1  }
0x17: {  	s4 =	simm.s32 $0x1BF5;
	[smem:$0x3FB4] =	sst s0  }
0x18: {  	s0 =	sld [smem:$0x3F97];
	_ =	swait.ge [sflag:s4], $0x0  }
0x19: {  	s7 =	sld [smem:$0x3F98]  }
0x1a: {  	s8 =	sadd.s32 $0xFFFFE003, lr  }
0x1b: {  	s9 =	sadd.s32 $0xFFFFFEF7, lr;
	s5 =	simm.s32 $0xFFFFFFFF;
	p2 =	slt.u32 s8, $0xFFFFF086  }
0x1c: {  	p1 =	slt.u32 s9, $0xF7A;
	s5 =	simm.s32 @!p2 $0x0  }
0x1d: {  	s5 =	simm.s32 @p1 $0x1;
	p0 =	seq.s32 s7, s2  }
0x1e: {  	s7 =	smul.u32 @!p0 $0xF7A, s2;
	p2 =	seq.s32 @!p0 s5, $0x0  }
0x1f: {  	s9 =	smul.u32 $0xF7A, s1;
	s8 =	simm.s32 @!p0 $0x1BF5;
	p2 =	por !p2, p0  }
0x20: {  	[sflag:s8] =	ssyncset.s32 @!p0 $0xFFFFF086;
	s6 =	sadd.s32 @!p0 s3, s7;
	s7 =	simm.s32 @!p0 $0x108  }
0x21: {  	s3 =	sadd.s32 s3, s9;
	s6 =	sadd.s32 @!p0 $0x88, s6;
	s7 =	simm.s32 @p2 $0x1082  }
0x22: {  	[simem:s7], [sflag:s8] =	dma.local @!p0 [hbm:s6], $0xF7A  }
0x23: {  	s9 =	sor.u32 $0xD0000000, s2;
	s6 =	simm.s32 $0x108;
	_ =	swait.ge @!p0 [sflag:s8], $0x0  }
0x24: {  	s3 =	sadd.s32 $0x88, s3;
	s6 =	simm.s32 @!p1 $0x1082;
	[sflag:s4] =	ssyncset.s32 $0xFFFFF086  }
0x25: {  	[simem:s6], [sflag:s4] =	dma.local [hbm:s3], $0xF7A  }
0x26: {  	[smem:$0x3F98] =	sst s1;
	(tag) =	ssettag s2;
	_ =	strace s9  }
0x27: {  	s1 =	sld [smem:$0x3FA8]  }
0x28: {  	s2 =	sld [smem:$0x3FA9]  }
0x29: {  	s4 =	sld [smem:$0x3FAB]  }
0x2a: {  	p0 =	seq.s32 s5, $0x0;
	s5 =	sld [smem:$0x3FAC]  }
0x2b: {  	s6 =	sld [smem:$0x3FAD]  }
0x2c: {  	s7 =	sld [smem:$0x3FAE]  }
0x2d: {  	s3 =	simm.s32 $0x108;
	s8 =	sld [smem:$0x3FAF]  }
0x2e: {  	s3 =	simm.s32 @!p0 $0x1082;
	s9 =	sld [smem:$0x3FB0]  }
0x2f: {  	lr =	sadd.s32 s0, s3;
	s0 =	sld [smem:$0x3FA7]  }
0x30: {  	s3 =	sld [smem:$0x3FAA]  }
0x31: {  	[smem:$0x3FB3] =	sst s10  }
0x32: {  	s10 =	sld [smem:$0x3FB1];
	_ =	sdelay $0x3  }
0x33: {  	p0 =	seq.s32 s10, $0x1;
	s10 =	sld [smem:$0x3FB3];
	_ =	sdelay $0x3  }
0x34: {  	[smem:$0x3FB3] =	sst s10  }
0x35: {  	s10 =	sld [smem:$0x3FB2];
	_ =	sdelay $0x3  }
0x36: {  	p1 =	seq.s32 s10, $0x1;
	s10 =	sld [smem:$0x3FB3];
	_ =	sdelay $0x3  }
0x37: {  	[smem:$0x3FB3] =	sst s10  }
0x38: {  	s10 =	sld [smem:$0x3FB4]  }
0x39: {  	_ = 	snop;
	(pc) =	sbr.ind lr, $3  }
0x3a: {  	_ = 	snop  }
0x3b: {  	_ = 	snop  }
0x3c: {  	p2 =	seq.s32 s10, $0x1;
	s10 =	sld [smem:$0x3FB3]  }
0x3d: {  	_ =	shalt  }
0x3e: {  	_ =	shalt  }
0x3f: {  	_ =	shalt  }
0x40: {  	_ =	shalt  }
0x41: {  	_ =	shalt  }
0x42: {  	_ =	shalt  }
0x43: {  	_ =	shalt  }
0x44: {  	_ =	shalt  }
0x45: {  	_ =	shalt  }
0x46: {  	_ =	shalt  }
0x47: {  	_ =	shalt  }
0x48: {  	_ =	shalt  }
0x49: {  	_ =	shalt  }
0x4a: {  	_ =	shalt  }
0x4b: {  	_ =	shalt  }
0x4c: {  	_ =	shalt  }
0x4d: {  	_ =	shalt  }
0x4e: {  	_ =	shalt  }
0x4f: {  	_ =	shalt  }
0x50: {  	_ =	shalt  }
0x51: {  	_ =	shalt  }
0x52: {  	_ =	shalt  }
0x53: {  	_ =	shalt  }
0x54: {  	_ =	shalt  }
0x55: {  	_ =	shalt  }
0x56: {  	_ =	shalt  }
0x57: {  	_ =	shalt  }
0x58: {  	_ =	shalt  }
0x59: {  	_ =	shalt  }
0x5a: {  	_ =	shalt  }
0x5b: {  	_ =	shalt  }
0x5c: {  	_ =	shalt  }
0x5d: {  	_ =	shalt  }
0x5e: {  	_ =	shalt  }
0x5f: {  	_ =	shalt  }
0x60: {  	_ =	shalt  }
0x61: {  	_ =	shalt  }
0x62: {  	_ =	shalt  }
0x63: {  	_ =	shalt  }
0x64: {  	_ =	shalt  }
0x65: {  	_ =	shalt  }
0x66: {  	_ =	shalt  }
0x67: {  	_ =	shalt  }
0x68: {  	_ =	shalt  }
0x69: {  	_ =	shalt  }
0x6a: {  	_ =	shalt  }
0x6b: {  	_ =	shalt  }
0x6c: {  	_ =	shalt  }
0x6d: {  	_ =	shalt  }
0x6e: {  	_ =	shalt  }
0x6f: {  	_ =	shalt  }
0x70: {  	_ =	shalt  }
0x71: {  	_ =	shalt  }
0x72: {  	_ =	shalt  }
0x73: {  	_ =	shalt  }
0x74: {  	_ =	shalt  }
0x75: {  	_ =	shalt  }
0x76: {  	_ =	shalt  }
0x77: {  	_ =	shalt  }
0x78: {  	_ =	shalt  }
0x79: {  	_ =	shalt  }
0x7a: {  	_ =	shalt  }
0x7b: {  	_ =	shalt  }
0x7c: {  	_ =	shalt  }
0x7d: {  	_ =	shalt  }
0x7e: {  	_ =	shalt  }
0x7f: {  	_ =	shalt  }
0x80: {  	_ =	shalt  }
0x81: {  	_ =	shalt  }
0x82: {  	_ =	shalt  }
0x83: {  	_ =	shalt  }
0x84: {  	_ =	shalt  }
0x85: {  	_ =	shalt  }
0x86: {  	_ =	shalt  }
0x87: {  	_ =	shalt  }
.Lfunc_end0:
.L_simem_size_0:
called_computation_lowered:
.L_overlay_start_0:
0x88: {  	s2 =	sld [smem:$0x3FD9]  }
0x89: {  	s3 =	sld [smem:$0x3FFE];
	_ =	sdelay $0x1  }
0x8a: {  	s1 =	srdreg.scid  }
0x8b: {  	s0 =	sand.u32 $0x1, s1  }
0x8c: {  	s17 =	sshll.u32 s0, $0xA;
	s2 =	sadd.s32 s3, s2  }
0x8d: {  	s2 =	sadd.s32 s2, s17  }
0x8e: {  	[smem:$0x3FBF] =	sst s2  }
0x8f: {  	_ = 	snop  }
0x90: {  	s2 =	sld [smem:$0x3FC9]  }
0x91: {  	s18 =	sld [smem:$0x3FC8]  }
0x92: {  	s4 =	sld [smem:$0x3FC7]  }
0x93: {  	s5 =	sld [smem:$0x3FC6]  }
0x94: {  	s6 =	sld [smem:$0x3FC5]  }
0x95: {  	s7 =	sld [smem:$0x3FD0];
	(tm) =	ssettm $0x1  }
0x96: {  	s8 =	sld [smem:$0x3FFB];
	_ =	sdelay $0x3  }
0x97: {  	_ =	strace s8  }
0x98: {  	s8 =	sld [smem:$0x3FFC];
	_ =	sdelay $0x3  }
0x99: {  	_ =	strace s8  }
0x9a: {  	s8 =	sld [smem:$0x3FFD];
	_ =	sdelay $0x3  }
0x9b: {  	_ =	strace s8  }
0x9c: {  	_ =	strace $0x8FFFFFFF  }
0x9d: {  	s19 =	sld [smem:$0x3FDB];
	_ =	sdelay $0x1  }
0x9e: {  	s9 =	simm.s32 $_scs_section_size  }
0x9f: {  	s10 =	simm.s32 $_size__tile_overlayer_lowered;
	s11 =	simm.s32 $_tile_overlayer_lowered  }
0xa0: {  	s22 =	simm.s32 $0x1BFF;
	s21 =	sshll.u32 s11, $0x1;
	s8 =	sadd.s32 s9, s19  }
0xa1: {  	s12 =	simm.s32 $0x0;
	s20 =	sshll.u32 s10, $0x1;
	s10 =	sadd.s32 s21, s8  }
0xa2: {  	[timem:s12], [sflag:s22] =	dma.local [hbm:s10], s20  }
0xa3: {  	_ =	swait.ge [sflag:s22], s20  }
0xa4: {  	s9 =	ssub.s32 $0x0, s20;
	[sflag:s22] =	ssyncset.done $0x0  }
0xa5: {  	[sflag:s22] =	ssyncadd.s32 s9;
	_ =	sdelay $0x1  }
0xa6: {  	s23 =	simm.s32 $0x1B8B  }
0xa7: {  	_ =	swait.ge [sflag:s23], $0x1  }
0xa8: {  	[sflag:s23] =	ssyncset.done $0x0  }
0xa9: {  	s25 =	simm.s32 $0x1B8E;
	s24 =	sld [smem:$0x3FFE];
	[sflag:s23] =	ssyncadd.s32 $0xFFFFFFFF  }
0xaa: {  	s26 =	simm.s32 $execute0_lowered;
	[smem:$0x3FD2] =	sst s25  }
0xab: {  	s10 =	sshll.u32 s26, $0x1;
	_ =	strace $0x80000046;
	[dreg:$0x1] =	wrdreg $0xFFFFFFFF  }
0xac: {  	s28 =	simm.s32 $_size_execute0_lowered;
	s8 =	sadd.s32 s8, s10;
	[dreg:$0x0] =	wrdreg $0x0  }
0xad: {  	s10 =	sshll.u32 s28, $0x1;
	[dreg:$0x2] =	wrdreg s8  }
0xae: {  	[dreg:$0x3] =	wrdreg s10  }
0xaf: {  	[dreg:$0x4] =	wrdreg $0xC0  }
0xb0: {  	_ =	task [dreg:s12], $0x5FFFF  }
0xb1: {  	[dreg:$0x1] =	wrdreg $0xFFFFFFFF  }
0xb2: {  	[dreg:$0x0] =	wrdreg $0x60  }
0xb3: {  	[dreg:$0x2] =	wrdreg s24  }
0xb4: {  	[dreg:$0x3] =	wrdreg s2  }
0xb5: {  	[dreg:$0x4] =	wrdreg s18  }
0xb6: {  	[dreg:$0x5] =	wrdreg s4  }
0xb7: {  	[dreg:$0x6] =	wrdreg s5  }
0xb8: {  	[dreg:$0x7] =	wrdreg s6  }
0xb9: {  	[dreg:$0x8] =	wrdreg s7  }
0xba: {  	[dreg:$0x9] =	wrdreg $0xC000  }
0xbb: {  	[dreg:$0xa] =	wrdreg $0xF200  }
0xbc: {  	[dreg:$0xb] =	wrdreg $0x9  }
0xbd: {  	_ =	task.clear_ibuf [dreg:s12], $0xCFFFF;
	_ =	strace $0x90000046  }
0xbe: {  	s29 =	simm.s32 $0x9;
	_ =	strace $0x80000048  }
0xbf: {  	_ =	swait.ge [sflag:s29], $0x1  }
0xc0: {  	[sflag:s29] =	ssyncadd.s32 $0xFFFFFFFF  }
0xc1: {  	_ =	strace $0x90000048  }
0xc2: {  	_ =	sfence  }
0xc3: {  	s30 =	sld [smem:$0x0];
	_ =	sdelay $0x2  }
0xc4: {  	s31 =	sshll.u32 s1, $0xD;
	s1 =	sshrl.u32 s1, $0x2  }
0xc5: {  	s3 =	sand.u32 $0x4000, s31;
	s1 =	sadd.s32 s1, s30  }
0xc6: {  	s0 =	sor.u32 s3, s0;
	s1 =	sshll.u32 s1, $0x11  }
0xc7: {  	s0 =	sor.u32 s1, s0  }
0xc8: {  	s0 =	sadd.s32 $0x8F2B, s0  }
0xc9: {  	[sflag:s0] =	ssyncadd.remote.s32 $0x1  }
0xca: {  	_ =	sfence.sel $0xFFFF  }
0xcb: {  	[dreg:$0x0] =	wrdreg $0xFFFFFFFF;
	(pc) =	sbr.abs _section_cstart, $3  }
0xcc: {  	[dreg:$0x1] =	wrdreg $0xFFFFFFFF  }
0xcd: {  	_ =	task.clear_ibuf [dreg:s12], $0x2FFFF;
	_ =	strace $0x9FFFFFFF  }
0xce: {  	(tm) =	ssettm $0x7FFFFFFF  }
0xcf: {  	_ =	shalt  }
tec
execute0_lowered:
.L_overlay_start_1:
0x0: {  	(tag) =	ssettag $0x1  }
0x1: {  	s0 =	rddreg [dreg:$0x0]  }
0x2: {  	s4 =	rddreg [dreg:$0x1]  }
0x3: {  	s5 =	rddreg [dreg:$0x2]  }
0x4: {  	s6 =	rddreg [dreg:$0x3]  }
0x5: {  	s7 =	rddreg [dreg:$0x4];
	s3 =	srdreg.scid  }
0x6: {  	s8 =	rddreg [dreg:$0x6];
	s9 =	stileid.u32;
	s3 =	sand.u32 $0x1, s3  }
0x7: {  	s11 =	sshll.u32 s9, $0xA;
	s10 =	ssub.s32 $0x2, s3;
	s3 =	sshll.u32 s3, $0x9  }
0x8: {  	s1 =	rddreg [dreg:$0x7];
	s2 =	simm.s32 $0x0;
	s3 =	sor.u32 s3, s11  }
0x9: {  	[smem:$0x7FF] =	sst s2;
	s12 =	sshrl.u32 s10, $0x1;
	s24 =	sor.u32 $0x80, s3  }
0xa: {  	s13 =	ssub.s32 s10, s12;
	s26 =	sor.u32 $0x100, s3;
	[dreg:$0xe] =	wrdreg s24  }
0xb: {  	s19 =	sshrl.u32 s3, $0x3;
	s12 =	sor.u32 $0x180, s3;
	[dreg:$0x10] =	wrdreg s26  }
0xc: {  	s30 =	simm.s32 $0x400;
	s4 =	sadd.s32 s4, s19;
	[dreg:$0x12] =	wrdreg s12  }
0xd: {  	s29 =	simm.s32 $0x2;
	s20 =	sadd.s32 s5, s19;
	[dreg:$0xa] =	wrdreg s4  }
0xe: {  	s18 =	sadd.s32 $0x1C00, s0;
	s21 =	sadd.s32 s6, s19;
	[dreg:$0xb] =	wrdreg s20  }
0xf: {  	s15 =	sshll.u32 s3, $0x5;
	s22 =	sadd.s32 s7, s19;
	[dreg:$0xc] =	wrdreg s21  }
0x10: {  	s17 =	sadd.s32 $0x80, s8;
	s16 =	sadd.s32 s8, s15;
	[dreg:$0xd] =	wrdreg s22  }
0x11: {  	s23 =	sshll.u32 s3, $0x4;
	s5 =	sadd.s32 s15, s17;
	[dreg:$0x15] =	wrdreg s16  }
0x12: {  	s19 =	sshll.u32 s26, $0x5;
	s4 =	sadd.s32 s18, s23;
	[dreg:$0x16] =	wrdreg s5  }
0x13: {  	s31 =	simm.s32 $0x3;
	s21 =	sadd.s32 s8, s19;
	[dreg:$0xf] =	wrdreg s4  }
0x14: {  	s25 =	sshll.u32 s24, $0x4;
	s22 =	sadd.s32 s19, s17;
	[dreg:$0x19] =	wrdreg s21  }
0x15: {  	s10 =	sshll.u32 s26, $0x4;
	s4 =	sadd.s32 s18, s25;
	[dreg:$0x1a] =	wrdreg s22  }
0x16: {  	s14 =	sshll.u32 s12, $0x4;
	[dreg:$0x11] =	wrdreg s4;
	s4 =	sadd.s32 s18, s10  }
0x17: {  	s23 =	sshll.u32 s12, $0x5;
	[dreg:$0x13] =	wrdreg s4;
	s4 =	sadd.s32 s18, s14  }
0x18: {  	s18 =	sshll.u32 s24, $0x5;
	s24 =	sadd.s32 s8, s23;
	[dreg:$0x14] =	wrdreg s4  }
0x19: {  	v0 =	vlaneseq.u32;
	s28 =	simm.s32 $0x0;
	s20 =	sadd.s32 s8, s18;
	[dreg:$0x1b] =	wrdreg s24  }
0x1a: {  	p0 =	sne.s32 s9, $0x0;
	v0 =	vmul.u32 $0x80, v0;
	s5 =	sadd.s32 s18, s17;
	[dreg:$0x17] =	wrdreg s20  }
0x1b: {  	s9 =	simm.s32 $0xE;
	s4 =	sadd.s32 s23, s17;
	[dreg:$0x18] =	wrdreg s5  }
0x1c: {  	s11 =	simm.s32 $0x15240;
	v1 =	vor.u32 $0x800, v0;
	s26 =	smax.u32 s13, $0x1;
	[dreg:$0x1c] =	wrdreg s4  }
0x1d: {  	v59 =	vor.u32 $0x1000, v0;
	s6 =	simm.s32 $0x1240;
	s22 =	rddreg [dreg:$0x8];
	_ =	strace $0x80000047;
	[tilespmem:$0x1FF80] =	vst v1  }
0x1e: {  	v60 =	vor.u32 $0x1800, v0;
	s7 =	simm.s32 $0x9240;
	s13 =	simm.s32 $0x19240;
	s15 =	simm.s32 $0x5;
	[tilespmem:$0x1FF90] =	vst v59  }
0x1f: {  	v61 =	vor.u32 $0x2000, v0;
	s16 =	simm.s32 $0x7;
	s19 =	simm.s32 $0x6;
	s25 =	sadd.s32 $0xC00, s0;
	[tilespmem:$0x1FFA0] =	vst v60  }
0x20: {  	v62 =	vor.u32 $0x2800, v0;
	s0 =	sadd.s32 $0x1400, s0;
	s21 =	simm.s32 $0x8;
	s14 =	simm.s32 $0xF;
	[tilespmem:$0x1FFB0] =	vst v61  }
0x21: {  	v63 =	vor.u32 $0x3000, v0;
	s17 =	simm.s32 $0x5240;
	s18 =	simm.s32 $0xD240;
	s23 =	simm.s32 $0x9;
	[tilespmem:$0x1FFC0] =	vst v62  }
0x22: {  	s24 =	simm.s32 $0xB;
	s20 =	simm.s32 $0x4;
	[dreg:$0x1d] =	wrdreg s25;
	[tilespmem:$0x1FFD0] =	vst v63  }
0x23: {  	s4 =	simm.s32 $0x80;
	s5 =	simm.s32 $0x800;
	[dreg:$0x1e] =	wrdreg s0;
	[tilespmem:$0x1FFE0] =	vst v0;
	v0 =	vor.u32 $0x3800, v0  }
0x24: {  	[dreg:$0x1f] =	wrdreg s26;
	s25 =	simm.s32 $0xA;
	s26 =	simm.s32 $0xC;
	[tilespmem:$0x1FFF0] =	vst v0  }
.LBB2_1:
0x25: {  	s8 =	sshrl.u32 @!p0 s1, $0x3;
	s10 =	simm.s32 @!p0 $0x1C0D;
	s12 =	rddreg [dreg:$0x1d]  }
0x26: {  	[spmem:s8], [sflag:s10] =	dma.local @!p0 [hbm:s12], $0x640  }
0x27: {  	s8 =	simm.s32 @!p0 $0xD  }
0x28: {  	_ =	swait.ge @!p0 [sflag:s8], $0x640  }
0x29: {  	[sflag:s8] =	ssyncset.done @!p0 $0x0  }
0x2a: {  	s12 =	sshrl.u32 @!p0 s22, $0x3;
	s0 =	rddreg [dreg:$0x1e];
	[sflag:s8] =	ssyncadd.s32 @!p0 $0xFFFFF9C0  }
0x2b: {  	[spmem:s12], [sflag:s10] =	dma.local @!p0 [hbm:s0], $0x640  }
0x2c: {  	_ =	swait.ge @!p0 [sflag:s8], $0x640  }
0x2d: {  	[sflag:s8] =	ssyncset.done @!p0 $0x0  }
0x2e: {  	s0 =	rddreg [dreg:$0xa];
	[sflag:s8] =	ssyncadd.s32 @!p0 $0xFFFFF9C0  }
0x2f: {  	[tilespmem:s2], [sflag:$0x1] =	stream.linear.gather [hbm4b:s0+s2], $0x200, $0x38;
	[tilespmem:$0x1D240] =	vst v63  }
0x30: {  	s12 =	simm.s32 $0x200;
	s10 =	rddreg [dreg:$0xb]  }
0x31: {  	[tilespmem:s12], [sflag:$0x2] =	stream.linear.gather [hbm4b:s10+s2], $0x200, $0x38;
	[tilespmem:$0x1D240] =	vst v63  }
0x32: {  	s0 =	rddreg [dreg:$0xc]  }
0x33: {  	[tilespmem:s30], [sflag:$0x3] =	stream.linear.gather [hbm4b:s0+s2], $0x200, $0x38;
	[tilespmem:$0x1D240] =	vst v63  }
0x34: {  	s10 =	rddreg [dreg:$0xd];
	s12 =	simm.s32 $0x600  }
0x35: {  	[tilespmem:s12], [sflag:$0x4] =	stream.linear.gather [hbm4b:s10+s2], $0x200, $0x38;
	[tilespmem:$0x1D240] =	vst v63  }
0x36: {  	s8 =	simm.s32 $0x1;
	s10 =	rddreg [dreg:$0x5];
	s12 =	simm.s32 $0x11240  }
0x37: {  	[tilespmem:s12], [sflag:$0xE] =	stream.linear.gather [hbm4b:s10+s2], $0x4000, $0x38;
	[tilespmem:$0x1D240] =	vst v63  }
0x38: {  	_ =	swait.ge [sflag:s8], $0x200  }
0x39: {  	[sflag:s8] =	ssyncset.done $0x0  }
0x3a: {  	[sflag:s8] =	ssyncadd.s32 $0xFFFFFE00  }
0x3b: {  	_ =	swait.ge [sflag:s29], $0x200  }
0x3c: {  	[sflag:s29] =	ssyncset.done $0x0  }
0x3d: {  	[sflag:s29] =	ssyncadd.s32 $0xFFFFFE00  }
0x3e: {  	_ =	swait.ge [sflag:s31], $0x200  }
0x3f: {  	[sflag:s31] =	ssyncset.done $0x0  }
0x40: {  	[sflag:s31] =	ssyncadd.s32 $0xFFFFFE00  }
0x41: {  	_ =	swait.ge [sflag:s20], $0x200  }
0x42: {  	[sflag:s20] =	ssyncset.done $0x0  }
0x43: {  	[sflag:s20] =	ssyncadd.s32 $0xFFFFFE00  }
0x44: {  	v8 =	vld [tilespmem:$0x0]  }
0x45: {  	v10 =	vld [tilespmem:$0x200]  }
0x46: {  	v14 =	vld [tilespmem:$0x400]  }
0x47: {  	v15 =	vld [tilespmem:$0x600]  }
0x48: {  	v16 =	vld [tilespmem:$0x10]  }
0x49: {  	v17 =	vld [tilespmem:$0x210]  }
0x4a: {  	v18 =	vld [tilespmem:$0x410]  }
0x4b: {  	v19 =	vld [tilespmem:$0x610]  }
0x4c: {  	v20 =	vld [tilespmem:$0x20]  }
0x4d: {  	v21 =	vld [tilespmem:$0x220]  }
0x4e: {  	v22 =	vld [tilespmem:$0x420]  }
0x4f: {  	v23 =	vld [tilespmem:$0x620]  }
0x50: {  	v24 =	vld [tilespmem:$0x30]  }
0x51: {  	v25 =	vld [tilespmem:$0x230]  }
0x52: {  	v26 =	vld [tilespmem:$0x430]  }
0x53: {  	v27 =	vld [tilespmem:$0x630]  }
0x54: {  	v28 =	vld [tilespmem:$0x40]  }
0x55: {  	v29 =	vld [tilespmem:$0x240]  }
0x56: {  	v30 =	vld [tilespmem:$0x440]  }
0x57: {  	v31 =	vld [tilespmem:$0x640]  }
0x58: {  	v32 =	vld [tilespmem:$0x50]  }
0x59: {  	v33 =	vld [tilespmem:$0x250]  }
0x5a: {  	v34 =	vld [tilespmem:$0x450]  }
0x5b: {  	v35 =	vld [tilespmem:$0x650]  }
0x5c: {  	v36 =	vld [tilespmem:$0x60]  }
0x5d: {  	v37 =	vld [tilespmem:$0x260]  }
0x5e: {  	v38 =	vld [tilespmem:$0x460]  }
0x5f: {  	v39 =	vld [tilespmem:$0x660]  }
0x60: {  	v40 =	vld [tilespmem:$0x70]  }
0x61: {  	v41 =	vld [tilespmem:$0x270]  }
0x62: {  	v42 =	vld [tilespmem:$0x470]  }
0x63: {  	v43 =	vld [tilespmem:$0x670]  }
0x64: {  	v44 =	vld [tilespmem:$0x80]  }
0x65: {  	v45 =	vld [tilespmem:$0x280]  }
0x66: {  	v46 =	vld [tilespmem:$0x480]  }
0x67: {  	v47 =	vld [tilespmem:$0x680]  }
0x68: {  	v48 =	vld [tilespmem:$0x90]  }
0x69: {  	v49 =	vld [tilespmem:$0x290]  }
0x6a: {  	v50 =	vld [tilespmem:$0x490]  }
0x6b: {  	v51 =	vld [tilespmem:$0x690]  }
0x6c: {  	v52 =	vld [tilespmem:$0xA0]  }
0x6d: {  	v53 =	vld [tilespmem:$0x2A0]  }
0x6e: {  	v54 =	vld [tilespmem:$0x4A0]  }
0x6f: {  	v55 =	vld [tilespmem:$0x6A0]  }
0x70: {  	v0 =	vld [tilespmem:$0x2F0]  }
0x71: {  	v56 =	vld [tilespmem:$0xB0]  }
0x72: {  	v57 =	vld [tilespmem:$0x2B0]  }
0x73: {  	v58 =	vld [tilespmem:$0x4B0]  }
0x74: {  	v59 =	vld [tilespmem:$0x6B0]  }
0x75: {  	[tilespmem:$0x1FF30] =	vst v0;
	v0 =	vld [tilespmem:$0x6F0]  }
0x76: {  	v60 =	vld [tilespmem:$0xC0]  }
0x77: {  	v61 =	vld [tilespmem:$0x2C0]  }
0x78: {  	v62 =	vld [tilespmem:$0x4C0]  }
0x79: {  	v63 =	vld [tilespmem:$0x6C0]  }
0x7a: {  	[tilespmem:$0x1FF50] =	vst v0;
	v0 =	vld [tilespmem:$0x100]  }
0x7b: {  	v2 =	vld [tilespmem:$0xD0]  }
0x7c: {  	v4 =	vld [tilespmem:$0x2D0]  }
0x7d: {  	v3 =	vld [tilespmem:$0x4D0]  }
0x7e: {  	v9 =	vld [tilespmem:$0x6D0]  }
0x7f: {  	[tilespmem:$0x1FF40] =	vst v0;
	v0 =	vld [tilespmem:$0x300]  }
0x80: {  	v5 =	vld [tilespmem:$0xE0]  }
0x81: {  	v11 =	vld [tilespmem:$0x2E0]  }
0x82: {  	v7 =	vld [tilespmem:$0x4E0]  }
0x83: {  	v13 =	vld [tilespmem:$0x6E0]  }
0x84: {  	[tilespmem:$0x1FF70] =	vst v0;
	v0 =	vld [tilespmem:$0x500]  }
0x85: {  	v6 =	vld [tilespmem:$0xF0];
	v1 =	vmul.u32 $0xA, v14  }
0x86: {  	v12 =	vld [tilespmem:$0x4F0]  }
0x87: {  	v14 =	vld [tilespmem:$0x110];
	v15 =	vadd.s32 v15, v1  }
0x88: {  	v1 =	vmul.u32 $0xA, v18;
	v18 =	vld [tilespmem:$0x510];
	[tilespmem:$0xA00] =	vst v15  }
0x89: {  	v15 =	vld [tilespmem:$0x710];
	[tilespmem:$0x1FF60] =	vst v0;
	v0 =	vmul.u32 $0xA, v8  }
0x8a: {  	v16 =	vmul.u32 $0xA, v16;
	v8 =	vld [tilespmem:$0x700]  }
0x8b: {  	v0 =	vadd.s32 v10, v0;
	v10 =	vld [tilespmem:$0x310]  }
0x8c: {  	[tilespmem:$0x800] =	vst v0;
	v0 =	vadd.s32 v17, v16;
	v17 =	vld [tilespmem:$0x120]  }
0x8d: {  	v16 =	vmul.u32 $0xA, v20;
	v20 =	vadd.s32 v19, v1;
	v19 =	vld [tilespmem:$0x320]  }
0x8e: {  	v1 =	vmul.u32 $0xA, v22;
	[tilespmem:$0xA10] =	vst v20;
	v20 =	vld [tilespmem:$0x520]  }
0x8f: {  	v22 =	vadd.s32 v21, v16;
	v21 =	vld [tilespmem:$0x720]  }
0x90: {  	[tilespmem:$0x810] =	vst v0;
	v16 =	vmul.u32 $0xA, v24;
	v0 =	vadd.s32 v23, v1;
	v24 =	vmul.u32 $0xA, v26;
	v23 =	vld [tilespmem:$0x330]  }
0x91: {  	v26 =	vmul.u32 $0xA, v28;
	[tilespmem:$0x820] =	vst v22;
	v22 =	vld [tilespmem:$0x130]  }
0x92: {  	v28 =	vmul.u32 $0xA, v30;
	v27 =	vadd.s32 v27, v24;
	v24 =	vld [tilespmem:$0x530]  }
0x93: {  	v30 =	vmul.u32 $0xA, v32;
	v29 =	vadd.s32 v29, v26;
	v26 =	vld [tilespmem:$0x140]  }
0x94: {  	v32 =	vmul.u32 $0xA, v34;
	[tilespmem:$0xA20] =	vst v0;
	v25 =	vadd.s32 v25, v16;
	v31 =	vadd.s32 v31, v28;
	v28 =	vld [tilespmem:$0x540]  }
0x95: {  	v34 =	vmul.u32 $0xA, v36;
	v33 =	vadd.s32 v33, v30;
	v30 =	vld [tilespmem:$0x150];
	[tilespmem:$0x830] =	vst v25  }
0x96: {  	v2 =	vmul.u32 $0xA, v2;
	v36 =	vmul.u32 $0xA, v38;
	v35 =	vadd.s32 v35, v32;
	v32 =	vld [tilespmem:$0x550];
	[tilespmem:$0xA30] =	vst v27  }
0x97: {  	v38 =	vmul.u32 $0xA, v40;
	v40 =	vmul.u32 $0xA, v42;
	v37 =	vadd.s32 v37, v34;
	v34 =	vld [tilespmem:$0x160];
	[tilespmem:$0x840] =	vst v29  }
0x98: {  	v42 =	vmul.u32 $0xA, v44;
	v44 =	vmul.u32 $0xA, v46;
	v39 =	vadd.s32 v39, v36;
	v36 =	vld [tilespmem:$0x560];
	[tilespmem:$0xA40] =	vst v31  }
0x99: {  	v46 =	vmul.u32 $0xA, v48;
	v48 =	vmul.u32 $0xA, v50;
	v41 =	vadd.s32 v41, v38;
	v38 =	vld [tilespmem:$0x170];
	[tilespmem:$0x850] =	vst v33  }
0x9a: {  	v50 =	vmul.u32 $0xA, v52;
	v52 =	vmul.u32 $0xA, v54;
	v54 =	vmul.u32 $0xA, v56;
	v16 =	vld [tilespmem:$0x370];
	[tilespmem:$0xA50] =	vst v35  }
0x9b: {  	v49 =	vadd.s32 v49, v46;
	v46 =	vadd.s32 v4, v2;
	v4 =	vld [tilespmem:$0x770];
	[tilespmem:$0x860] =	vst v37  }
0x9c: {  	v56 =	vmul.u32 $0xA, v58;
	v58 =	vadd.s32 v57, v54;
	v54 =	vld [tilespmem:$0x1FF30];
	[tilespmem:$0xA60] =	vst v39  }
0x9d: {  	v43 =	vadd.s32 v43, v40;
	v57 =	vld [tilespmem:$0x1FF60];
	[tilespmem:$0x870] =	vst v41  }
0x9e: {  	v45 =	vadd.s32 v45, v42;
	v25 =	vld [tilespmem:$0x730];
	[tilespmem:$0xA70] =	vst v43  }
0x9f: {  	v47 =	vadd.s32 v47, v44;
	v27 =	vld [tilespmem:$0x340];
	[tilespmem:$0x880] =	vst v45  }
0xa0: {  	v29 =	vld [tilespmem:$0x740];
	[tilespmem:$0xA80] =	vst v47  }
0xa1: {  	v51 =	vadd.s32 v51, v48;
	v31 =	vld [tilespmem:$0x350];
	[tilespmem:$0x890] =	vst v49  }
0xa2: {  	v53 =	vadd.s32 v53, v50;
	v33 =	vld [tilespmem:$0x750];
	[tilespmem:$0xA90] =	vst v51  }
0xa3: {  	v55 =	vadd.s32 v55, v52;
	v35 =	vld [tilespmem:$0x360];
	[tilespmem:$0x8A0] =	vst v53  }
0xa4: {  	[tilespmem:$0xAA0] =	vst v55;
	v37 =	vld [tilespmem:$0x760]  }
0xa5: {  	v40 =	vmul.u32 $0xA, v60;
	[tilespmem:$0x8B0] =	vst v58;
	v45 =	vmul.u32 $0xA, v3;
	v3 =	vld [tilespmem:$0x570]  }
0xa6: {  	v42 =	vmul.u32 $0xA, v62;
	v41 =	vadd.s32 v59, v56;
	v47 =	vmul.u32 $0xA, v5;
	[tilespmem:$0x8D0] =	vst v46;
	v5 =	vld [tilespmem:$0x180]  }
0xa7: {  	v51 =	vmul.u32 $0xA, v6;
	v6 =	vld [tilespmem:$0x380];
	[tilespmem:$0xAB0] =	vst v41;
	v43 =	vadd.s32 v61, v40  }
0xa8: {  	v49 =	vmul.u32 $0xA, v7;
	v7 =	vld [tilespmem:$0x580];
	v44 =	vadd.s32 v63, v42;
	[tilespmem:$0x8C0] =	vst v43  }
0xa9: {  	v55 =	vld [tilespmem:$0x1FF40];
	[tilespmem:$0xAC0] =	vst v44;
	v48 =	vadd.s32 v9, v45  }
0xaa: {  	v56 =	vld [tilespmem:$0x1FF50];
	v59 =	vmul.u32 $0xA, v14;
	v50 =	vadd.s32 v11, v47;
	[tilespmem:$0xAD0] =	vst v48  }
0xab: {  	v58 =	vld [tilespmem:$0x1FF70];
	v61 =	vmul.u32 $0xA, v18;
	v52 =	vadd.s32 v13, v49;
	[tilespmem:$0x8E0] =	vst v50  }
0xac: {  	v53 =	vmul.u32 $0xA, v12;
	v12 =	vld [tilespmem:$0x390];
	v63 =	vmul.u32 $0xA, v17;
	v62 =	vadd.s32 v10, v59;
	[tilespmem:$0xAE0] =	vst v52  }
0xad: {  	v14 =	vld [tilespmem:$0x3A0];
	v18 =	vmul.u32 $0xA, v20;
	[tilespmem:$0x910] =	vst v62;
	v17 =	vadd.s32 v15, v61  }
0xae: {  	v39 =	vld [tilespmem:$0x5A0];
	v19 =	vadd.s32 v19, v63;
	[tilespmem:$0xB10] =	vst v17  }
0xaf: {  	v42 =	vld [tilespmem:$0x7A0];
	v20 =	vmul.u32 $0xA, v22;
	v22 =	vadd.s32 v21, v18;
	[tilespmem:$0x920] =	vst v19  }
0xb0: {  	v9 =	vld [tilespmem:$0x780];
	v0 =	vadd.s32 v54, v51;
	[tilespmem:$0xB20] =	vst v22  }
0xb1: {  	v11 =	vld [tilespmem:$0x190];
	v1 =	vmul.u32 $0xA, v57;
	[tilespmem:$0x8F0] =	vst v0;
	v0 =	vadd.s32 v56, v53  }
0xb2: {  	v10 =	vld [tilespmem:$0x790];
	v24 =	vmul.u32 $0xA, v24;
	v40 =	vadd.s32 v23, v20;
	[tilespmem:$0xAF0] =	vst v0  }
0xb3: {  	v13 =	vld [tilespmem:$0x1A0];
	v41 =	vmul.u32 $0xA, v26;
	v60 =	vadd.s32 v8, v1;
	[tilespmem:$0x930] =	vst v40  }
0xb4: {  	v45 =	vld [tilespmem:$0x1B0];
	v44 =	vmul.u32 $0xA, v28;
	v43 =	vadd.s32 v25, v24;
	[tilespmem:$0xB00] =	vst v60  }
0xb5: {  	v48 =	vld [tilespmem:$0x3B0];
	v47 =	vmul.u32 $0xA, v30;
	v46 =	vadd.s32 v27, v41;
	[tilespmem:$0xB30] =	vst v43  }
0xb6: {  	v63 =	vld [tilespmem:$0x5C0];
	v50 =	vmul.u32 $0xA, v32;
	v49 =	vadd.s32 v29, v44;
	[tilespmem:$0x940] =	vst v46  }
0xb7: {  	v51 =	vld [tilespmem:$0x5B0];
	v59 =	vmul.u32 $0xA, v38;
	v52 =	vadd.s32 v31, v47;
	[tilespmem:$0xB40] =	vst v49  }
0xb8: {  	v54 =	vld [tilespmem:$0x7B0];
	v2 =	vmul.u32 $0xA, v55;
	v55 =	vadd.s32 v33, v50;
	[tilespmem:$0x950] =	vst v52  }
0xb9: {  	v57 =	vld [tilespmem:$0x1C0];
	v53 =	vmul.u32 $0xA, v34;
	v24 =	vadd.s32 v16, v59;
	[tilespmem:$0xB50] =	vst v55  }
0xba: {  	v26 =	vld [tilespmem:$0x7C0];
	v56 =	vmul.u32 $0xA, v36;
	v0 =	vadd.s32 v58, v2;
	[tilespmem:$0x970] =	vst v24  }
0xbb: {  	v62 =	vmul.u32 $0xA, v3;
	v28 =	vmul.u32 $0xA, v7;
	v7 =	vld [tilespmem:$0x5D0];
	v58 =	vadd.s32 v35, v53;
	[tilespmem:$0x900] =	vst v0  }
0xbc: {  	v8 =	vld [tilespmem:$0x590];
	v61 =	vadd.s32 v37, v56;
	[tilespmem:$0x960] =	vst v58  }
0xbd: {  	v25 =	vmul.u32 $0xA, v5;
	v29 =	vld [tilespmem:$0x1D0];
	v27 =	vadd.s32 v4, v62;
	[tilespmem:$0xB60] =	vst v61  }
0xbe: {  	v44 =	vld [tilespmem:$0x7E0];
	v31 =	vmul.u32 $0xA, v11;
	v32 =	vadd.s32 v9, v28;
	[tilespmem:$0xB70] =	vst v27  }
0xbf: {  	v47 =	vld [tilespmem:$0x1F0];
	v35 =	vmul.u32 $0xA, v13;
	v30 =	vadd.s32 v6, v25;
	[tilespmem:$0xB80] =	vst v32  }
0xc0: {  	v50 =	vld [tilespmem:$0x5F0];
	v37 =	vmul.u32 $0xA, v39;
	[tilespmem:$0x980] =	vst v30;
	v34 =	vadd.s32 v12, v31  }
0xc1: {  	v60 =	vld [tilespmem:$0x3C0];
	v39 =	vmul.u32 $0xA, v45;
	v38 =	vadd.s32 v14, v35;
	[tilespmem:$0x990] =	vst v34  }
0xc2: {  	v11 =	vld [tilespmem:$0x5E0];
	v46 =	vmul.u32 $0xA, v63;
	v40 =	vadd.s32 v42, v37;
	[tilespmem:$0x9A0] =	vst v38  }
0xc3: {  	v6 =	vld [tilespmem:$0x3D0];
	v41 =	vmul.u32 $0xA, v51;
	v42 =	vadd.s32 v48, v39;
	[tilespmem:$0xBA0] =	vst v40  }
0xc4: {  	v53 =	vld [tilespmem:$0x3F0];
	v43 =	vmul.u32 $0xA, v57;
	[tilespmem:$0x9B0] =	vst v42;
	v51 =	vadd.s32 v26, v46  }
0xc5: {  	v9 =	vld [tilespmem:$0x1E0];
	v33 =	vmul.u32 $0xA, v8;
	v45 =	vadd.s32 v54, v41;
	[tilespmem:$0xBC0] =	vst v51  }
0xc6: {  	v8 =	vld [tilespmem:$0x7D0];
	v49 =	vmul.u32 $0xA, v29;
	[tilespmem:$0xBB0] =	vst v45;
	v48 =	vadd.s32 v60, v43  }
0xc7: {  	v59 =	vmul.u32 $0xA, v47;
	v36 =	vadd.s32 v10, v33;
	v10 =	vld [tilespmem:$0x3E0];
	[tilespmem:$0x9C0] =	vst v48  }
0xc8: {  	v57 =	vmul.u32 $0xA, v11;
	v54 =	vadd.s32 v6, v49;
	v6 =	vld [tilespmem:$0x7F0];
	[tilespmem:$0xB90] =	vst v36  }
0xc9: {  	v52 =	vmul.u32 $0xA, v7;
	v62 =	vadd.s32 v53, v59;
	[tilespmem:$0x9D0] =	vst v54  }
0xca: {  	v55 =	vmul.u32 $0xA, v9;
	v60 =	vadd.s32 v44, v57;
	[tilespmem:$0x9F0] =	vst v62  }
0xcb: {  	v61 =	vmul.u32 $0xA, v50;
	[tilespmem:$0xBE0] =	vst v60;
	v56 =	vadd.s32 v8, v52  }
0xcc: {  	[tilespmem:$0xBD0] =	vst v56;
	v58 =	vadd.s32 v10, v55  }
0xcd: {  	v63 =	vadd.s32 v6, v61;
	[tilespmem:$0x9E0] =	vst v58  }
0xce: {  	[tilespmem:$0xBF0] =	vst v63  }
0xcf: {  	[bflag:$0x0] =	sbarrier.arrive $0xFFFF  }
0xd0: {  	[tilespmem:s6], [sflag:$0x5] =	stream.indirect.gather [spmem:s1], $0x80, s5, s4, $0xb8;
	[tilespmem:$0x1D240] =	vst v63  }
0xd1: {  	s10 =	simm.s32 $0xA00  }
0xd2: {  	[tilespmem:s7], [sflag:$0x7] =	stream.indirect.gather [spmem:s22], $0x80, s10, s4, $0xb8;
	[tilespmem:$0x1D240] =	vst v63  }
0xd3: {  	_ =	swait.ge [sflag:s9], $0x4000  }
0xd4: {  	[sflag:s9] =	ssyncset.done $0x0  }
0xd5: {  	s12 =	simm.s32 $0x0;
	[sflag:s9] =	ssyncadd.s32 $0xFFFFC000  }
0xd6: {  	v10 =	vld [tilespmem:s12+$0x11240]  }
0xd7: {  	s8 =	simm.s32 $0x40;
	v9 =	vimm.f32 $0.0e+00;
	v8 =	vimm.f32 $0.0e+00  }
.LBB2_2:
0xd8: {  	p1 =	sne.s32 s8, $0xFFC0  }
.Ltmp0:
0xd9: {  	_ = 	snop;
	(pc) =	sbr.rel @p1 .LBB2_2-.Ltmp0, $4  }
0xda: {  	_ = 	snop  }
0xdb: {  	s10 =	sshra.s32 s8, $0x2;
	s8 =	sadd.s32 $0x40, s8;
	v8 =	vadd.f32 v10, v8;
	v0 =	vmul.f32 v10, v10  }
0xdc: {  	v10 =	vld [tilespmem:s10+$0x11240]  }
0xdd: {  	v9 =	vadd.f32 v0, v9  }
0xde: {  	_ =	sdelay $0x2  }
0xdf: {  	v0 =	vadd.f32 v10, v8;
	_ =	sdelay $0x1  }
0xe0: {  	(xrf2) =	vadd.scan.msk.f32 $0xffff, v0;
	_ =	sdelay $0x1  }
0xe1: {  	v51 =	vmul.f32 v10, v10;
	_ =	sdelay $0x1  }
0xe2: {  	v0 =	vadd.f32 v51, v9;
	_ =	sdelay $0x1  }
0xe3: {  	(xrf2) =	vadd.scan.msk.f32 $0xffff, v0;
	_ =	sdelay $0x3  }
0xe4: {  	v52, _, _ =	vpop (xrf2)  }
0xe5: {  	(v2sf) =	vpush v52, $0xF;
	_ =	sdelay $0x4  }
0xe6: {  	v53, _, _ =	vpop (xrf2)  }
0xe7: {  	(v2sf) =	vpush v53, $0xF;
	_ =	sdelay $0x8  }
0xe8: {  	s8 =	spop (v2sf)  }
0xe9: {  	s8 =	smul.f32 $6.103515630e-05, s8;
	_ =	sdelay $0x1  }
0xea: {  	s10 =	smul.f32 $-1.638400000e+04, s8;
	_ =	sdelay $0x1  }
0xeb: {  	s10 =	smul.f32 s10, s8  }
0xec: {  	s12 =	spop (v2sf)  }
0xed: {  	s10 =	sadd.f32 s10, s12;
	_ =	sdelay $0x1  }
0xee: {  	s10 =	smul.f32 $6.103888150e-05, s10;
	_ =	sdelay $0x1  }
0xef: {  	v54 =	vmov s10  }
0xf0: {  	v1 =	vshra.s32 v54, $0x1;
	v0 =	vmul.f32 $5.000000000e-01, v54  }
0xf1: {  	v1 =	vsub.s32 $0x5F3759DF, v1  }
0xf2: {  	v2 =	vmul.f32 v1, v0;
	_ =	sdelay $0x1  }
0xf3: {  	v2 =	vmul.f32 v1, v2;
	_ =	sdelay $0x1  }
0xf4: {  	v2 =	vsub.f32 $1.500000000e+00, v2;
	_ =	sdelay $0x1  }
0xf5: {  	v1 =	vmul.f32 v1, v2;
	_ =	sdelay $0x1  }
0xf6: {  	v2 =	vmul.f32 v1, v0;
	_ =	sdelay $0x1  }
0xf7: {  	v2 =	vmul.f32 v2, v1;
	_ =	sdelay $0x1  }
0xf8: {  	v2 =	vsub.f32 $1.500000000e+00, v2;
	_ =	sdelay $0x1  }
0xf9: {  	v1 =	vmul.f32 v2, v1;
	_ =	sdelay $0x1  }
0xfa: {  	v2 =	vmul.f32 v1, v0;
	_ =	sdelay $0x1  }
0xfb: {  	v2 =	vmul.f32 v2, v1;
	_ =	sdelay $0x1  }
0xfc: {  	v2 =	vsub.f32 $1.500000000e+00, v2;
	_ =	sdelay $0x1  }
0xfd: {  	v1 =	vmul.f32 v2, v1;
	_ =	sdelay $0x1  }
0xfe: {  	v0 =	vmul.f32 v1, v0  }
0xff: {  	v55 =	vld [tilespmem:s3+$0x11240]  }
0x100: {  	v59 =	vld [tilespmem:$0x1FFE0];
	v0 =	vmul.f32 v0, v1;
	_ =	sdelay $0x1  }
0x101: {  	v0 =	vsub.f32 $1.500000000e+00, v0  }
0x102: {  	v56 =	vmov s8  }
0x103: {  	v58 =	vsub.f32 v55, v56;
	v57 =	vmul.f32 v0, v1;
	_ =	sdelay $0x1  }
0x104: {  	v0 =	vmul.f32 v58, v57;
	_ =	sdelay $0x1  }
0x105: {  	[tilespmem:v59+s11+$0x0] =	vst.idx.msk $0xffff, v0  }
0x106: {  	v0 =	vld [tilespmem:s3+$0x11250]  }
0x107: {  	v60 =	vld [tilespmem:$0x1FF80];
	_ =	sdelay $0x3  }
0x108: {  	v0 =	vsub.f32 v0, v56;
	_ =	sdelay $0x1  }
0x109: {  	v0 =	vmul.f32 v0, v57;
	_ =	sdelay $0x1  }
0x10a: {  	[tilespmem:v60+s11+$0x0] =	vst.idx.msk $0xffff, v0  }
0x10b: {  	v0 =	vld [tilespmem:s3+$0x11260]  }
0x10c: {  	v3 =	vld [tilespmem:$0x1FF90];
	_ =	sdelay $0x3  }
0x10d: {  	v0 =	vsub.f32 v0, v56;
	_ =	sdelay $0x1  }
0x10e: {  	v0 =	vmul.f32 v0, v57;
	_ =	sdelay $0x1  }
0x10f: {  	[tilespmem:v3+s11+$0x0] =	vst.idx.msk $0xffff, v0  }
0x110: {  	v0 =	vld [tilespmem:s3+$0x11270]  }
0x111: {  	v4 =	vld [tilespmem:$0x1FFA0];
	_ =	sdelay $0x3  }
0x112: {  	v0 =	vsub.f32 v0, v56;
	_ =	sdelay $0x1  }
0x113: {  	v0 =	vmul.f32 v0, v57;
	_ =	sdelay $0x1  }
0x114: {  	[tilespmem:v4+s11+$0x0] =	vst.idx.msk $0xffff, v0  }
0x115: {  	v0 =	vld [tilespmem:s3+$0x11280]  }
0x116: {  	v5 =	vld [tilespmem:$0x1FFB0];
	_ =	sdelay $0x3  }
0x117: {  	v0 =	vsub.f32 v0, v56;
	_ =	sdelay $0x1  }
0x118: {  	v0 =	vmul.f32 v0, v57;
	_ =	sdelay $0x1  }
0x119: {  	[tilespmem:v5+s11+$0x0] =	vst.idx.msk $0xffff, v0  }
0x11a: {  	v0 =	vld [tilespmem:s3+$0x11290]  }
0x11b: {  	v6 =	vld [tilespmem:$0x1FFC0];
	_ =	sdelay $0x3  }
0x11c: {  	v0 =	vsub.f32 v0, v56;
	_ =	sdelay $0x1  }
0x11d: {  	v0 =	vmul.f32 v0, v57;
	_ =	sdelay $0x1  }
0x11e: {  	[tilespmem:v6+s11+$0x0] =	vst.idx.msk $0xffff, v0  }
0x11f: {  	v0 =	vld [tilespmem:s3+$0x112A0]  }
0x120: {  	v7 =	vld [tilespmem:$0x1FFD0];
	_ =	sdelay $0x3  }
0x121: {  	v0 =	vsub.f32 v0, v56;
	_ =	sdelay $0x1  }
0x122: {  	v0 =	vmul.f32 v0, v57;
	_ =	sdelay $0x1  }
0x123: {  	[tilespmem:v7+s11+$0x0] =	vst.idx.msk $0xffff, v0  }
0x124: {  	v0 =	vld [tilespmem:s3+$0x112B0]  }
0x125: {  	v61 =	vld [tilespmem:$0x1FFF0];
	_ =	sdelay $0x3  }
0x126: {  	v0 =	vsub.f32 v0, v56;
	_ =	sdelay $0x1  }
0x127: {  	v0 =	vmul.f32 v0, v57  }
0x128: {  	s12 =	rddreg [dreg:$0xe]  }
0x129: {  	s10 =	rddreg [dreg:$0xf];
	[tilespmem:v61+s11+$0x0] =	vst.idx.msk $0xffff, v0  }
0x12a: {  	[hbm4b:s10+s2] =	stream.linear.scatter [tilespmem:s11], [sflag:$0xE], $0x4000, $0x38;
	[tilespmem:$0x1D240] =	vst v63  }
0x12b: {  	v0 =	vld [tilespmem:s12+$0x11240];
	_ =	sdelay $0x4  }
0x12c: {  	v0 =	vsub.f32 v0, v56;
	_ =	sdelay $0x1  }
0x12d: {  	v0 =	vmul.f32 v0, v57;
	_ =	sdelay $0x1  }
0x12e: {  	[tilespmem:v59+s13+$0x0] =	vst.idx.msk $0xffff, v0  }
0x12f: {  	v0 =	vld [tilespmem:s3+$0x112D0];
	_ =	sdelay $0x4  }
0x130: {  	v0 =	vsub.f32 v0, v56;
	_ =	sdelay $0x1  }
0x131: {  	v0 =	vmul.f32 v0, v57;
	_ =	sdelay $0x1  }
0x132: {  	[tilespmem:v60+s13+$0x0] =	vst.idx.msk $0xffff, v0  }
0x133: {  	v0 =	vld [tilespmem:s3+$0x112E0];
	_ =	sdelay $0x4  }
0x134: {  	v0 =	vsub.f32 v0, v56;
	_ =	sdelay $0x1  }
0x135: {  	v0 =	vmul.f32 v0, v57;
	_ =	sdelay $0x1  }
0x136: {  	[tilespmem:v3+s13+$0x0] =	vst.idx.msk $0xffff, v0  }
0x137: {  	v0 =	vld [tilespmem:s3+$0x112F0];
	_ =	sdelay $0x4  }
0x138: {  	v0 =	vsub.f32 v0, v56;
	_ =	sdelay $0x1  }
0x139: {  	v0 =	vmul.f32 v0, v57;
	_ =	sdelay $0x1  }
0x13a: {  	[tilespmem:v4+s13+$0x0] =	vst.idx.msk $0xffff, v0  }
0x13b: {  	v0 =	vld [tilespmem:s3+$0x11300];
	_ =	sdelay $0x4  }
0x13c: {  	v0 =	vsub.f32 v0, v56;
	_ =	sdelay $0x1  }
0x13d: {  	v0 =	vmul.f32 v0, v57;
	_ =	sdelay $0x1  }
0x13e: {  	[tilespmem:v5+s13+$0x0] =	vst.idx.msk $0xffff, v0  }
0x13f: {  	v0 =	vld [tilespmem:s3+$0x11310];
	_ =	sdelay $0x4  }
0x140: {  	v0 =	vsub.f32 v0, v56;
	_ =	sdelay $0x1  }
0x141: {  	v0 =	vmul.f32 v0, v57;
	_ =	sdelay $0x1  }
0x142: {  	[tilespmem:v6+s13+$0x0] =	vst.idx.msk $0xffff, v0  }
0x143: {  	v0 =	vld [tilespmem:s3+$0x11320];
	_ =	sdelay $0x4  }
0x144: {  	v0 =	vsub.f32 v0, v56;
	_ =	sdelay $0x1  }
0x145: {  	v0 =	vmul.f32 v0, v57;
	_ =	sdelay $0x1  }
0x146: {  	[tilespmem:v7+s13+$0x0] =	vst.idx.msk $0xffff, v0  }
0x147: {  	v0 =	vld [tilespmem:s3+$0x11330];
	_ =	sdelay $0x4  }
0x148: {  	v0 =	vsub.f32 v0, v56;
	_ =	sdelay $0x1  }
0x149: {  	v0 =	vmul.f32 v0, v57;
	_ =	sdelay $0x1  }
0x14a: {  	s0 =	rddreg [dreg:$0x11];
	[tilespmem:v61+s13+$0x0] =	vst.idx.msk $0xffff, v0  }
0x14b: {  	[hbm4b:s0+s2] =	stream.linear.scatter [tilespmem:s13], [sflag:$0xF], $0x4000, $0x38;
	[tilespmem:$0x1D240] =	vst v63  }
0x14c: {  	_ =	swait.ge [sflag:s9], $0x4000  }
0x14d: {  	[sflag:s9] =	ssyncset.done $0x0  }
0x14e: {  	s10 =	rddreg [dreg:$0x10];
	[sflag:s9] =	ssyncadd.s32 $0xFFFFC000  }
0x14f: {  	v62 =	vld [tilespmem:s10+$0x11240];
	_ =	sdelay $0x4  }
0x150: {  	v0 =	vsub.f32 v62, v56;
	_ =	sdelay $0x1  }
0x151: {  	v0 =	vmul.f32 v0, v57;
	_ =	sdelay $0x1  }
0x152: {  	[tilespmem:v59+s11+$0x0] =	vst.idx.msk $0xffff, v0  }
0x153: {  	v0 =	vld [tilespmem:s3+$0x11350];
	_ =	sdelay $0x4  }
0x154: {  	v0 =	vsub.f32 v0, v56;
	_ =	sdelay $0x1  }
0x155: {  	v0 =	vmul.f32 v0, v57;
	_ =	sdelay $0x1  }
0x156: {  	[tilespmem:v60+s11+$0x0] =	vst.idx.msk $0xffff, v0  }
0x157: {  	v0 =	vld [tilespmem:s3+$0x11360];
	_ =	sdelay $0x4  }
0x158: {  	v0 =	vsub.f32 v0, v56;
	_ =	sdelay $0x1  }
0x159: {  	v0 =	vmul.f32 v0, v57;
	_ =	sdelay $0x1  }
0x15a: {  	[tilespmem:v3+s11+$0x0] =	vst.idx.msk $0xffff, v0  }
0x15b: {  	v0 =	vld [tilespmem:s3+$0x11370];
	_ =	sdelay $0x4  }
0x15c: {  	v0 =	vsub.f32 v0, v56;
	_ =	sdelay $0x1  }
0x15d: {  	v0 =	vmul.f32 v0, v57;
	_ =	sdelay $0x1  }
0x15e: {  	[tilespmem:v4+s11+$0x0] =	vst.idx.msk $0xffff, v0  }
0x15f: {  	v0 =	vld [tilespmem:s3+$0x11380];
	_ =	sdelay $0x4  }
0x160: {  	v0 =	vsub.f32 v0, v56;
	_ =	sdelay $0x1  }
0x161: {  	v0 =	vmul.f32 v0, v57;
	_ =	sdelay $0x1  }
0x162: {  	[tilespmem:v5+s11+$0x0] =	vst.idx.msk $0xffff, v0  }
0x163: {  	v0 =	vld [tilespmem:s3+$0x11390];
	_ =	sdelay $0x4  }
0x164: {  	v0 =	vsub.f32 v0, v56;
	_ =	sdelay $0x1  }
0x165: {  	v0 =	vmul.f32 v0, v57;
	_ =	sdelay $0x1  }
0x166: {  	[tilespmem:v6+s11+$0x0] =	vst.idx.msk $0xffff, v0  }
0x167: {  	v0 =	vld [tilespmem:s3+$0x113A0];
	_ =	sdelay $0x4  }
0x168: {  	v0 =	vsub.f32 v0, v56;
	_ =	sdelay $0x1  }
0x169: {  	v0 =	vmul.f32 v0, v57;
	_ =	sdelay $0x1  }
0x16a: {  	[tilespmem:v7+s11+$0x0] =	vst.idx.msk $0xffff, v0  }
0x16b: {  	v0 =	vld [tilespmem:s3+$0x113B0];
	_ =	sdelay $0x4  }
0x16c: {  	v0 =	vsub.f32 v0, v56;
	_ =	sdelay $0x1  }
0x16d: {  	v0 =	vmul.f32 v0, v57;
	_ =	sdelay $0x1  }
0x16e: {  	s12 =	rddreg [dreg:$0x13];
	[tilespmem:v61+s11+$0x0] =	vst.idx.msk $0xffff, v0  }
0x16f: {  	[hbm4b:s12+s2] =	stream.linear.scatter [tilespmem:s11], [sflag:$0xE], $0x4000, $0x38;
	[tilespmem:$0x1D240] =	vst v63  }
0x170: {  	_ =	swait.ge [sflag:s14], $0x4000  }
0x171: {  	[sflag:s14] =	ssyncset.done $0x0  }
0x172: {  	s0 =	rddreg [dreg:$0x12];
	[sflag:s14] =	ssyncadd.s32 $0xFFFFC000  }
0x173: {  	v63 =	vld [tilespmem:s0+$0x11240];
	_ =	sdelay $0x4  }
0x174: {  	v0 =	vsub.f32 v63, v56;
	_ =	sdelay $0x1  }
0x175: {  	v0 =	vmul.f32 v0, v57;
	_ =	sdelay $0x1  }
0x176: {  	[tilespmem:v59+s13+$0x0] =	vst.idx.msk $0xffff, v0  }
0x177: {  	v0 =	vld [tilespmem:s3+$0x113D0];
	_ =	sdelay $0x4  }
0x178: {  	v0 =	vsub.f32 v0, v56;
	_ =	sdelay $0x1  }
0x179: {  	v0 =	vmul.f32 v0, v57;
	_ =	sdelay $0x1  }
0x17a: {  	[tilespmem:v60+s13+$0x0] =	vst.idx.msk $0xffff, v0  }
0x17b: {  	v0 =	vld [tilespmem:s3+$0x113E0];
	_ =	sdelay $0x4  }
0x17c: {  	v0 =	vsub.f32 v0, v56;
	_ =	sdelay $0x1  }
0x17d: {  	v0 =	vmul.f32 v0, v57;
	_ =	sdelay $0x1  }
0x17e: {  	[tilespmem:v3+s13+$0x0] =	vst.idx.msk $0xffff, v0  }
0x17f: {  	v0 =	vld [tilespmem:s3+$0x113F0];
	_ =	sdelay $0x4  }
0x180: {  	v0 =	vsub.f32 v0, v56;
	_ =	sdelay $0x1  }
0x181: {  	v0 =	vmul.f32 v0, v57;
	_ =	sdelay $0x1  }
0x182: {  	[tilespmem:v4+s13+$0x0] =	vst.idx.msk $0xffff, v0  }
0x183: {  	v0 =	vld [tilespmem:s3+$0x11400];
	_ =	sdelay $0x4  }
0x184: {  	v0 =	vsub.f32 v0, v56;
	_ =	sdelay $0x1  }
0x185: {  	v0 =	vmul.f32 v0, v57;
	_ =	sdelay $0x1  }
0x186: {  	[tilespmem:v5+s13+$0x0] =	vst.idx.msk $0xffff, v0  }
0x187: {  	v0 =	vld [tilespmem:s3+$0x11410];
	_ =	sdelay $0x4  }
0x188: {  	v0 =	vsub.f32 v0, v56;
	_ =	sdelay $0x1  }
0x189: {  	v0 =	vmul.f32 v0, v57;
	_ =	sdelay $0x1  }
0x18a: {  	[tilespmem:v6+s13+$0x0] =	vst.idx.msk $0xffff, v0  }
0x18b: {  	v0 =	vld [tilespmem:s3+$0x11420];
	_ =	sdelay $0x4  }
0x18c: {  	v0 =	vsub.f32 v0, v56;
	_ =	sdelay $0x1  }
0x18d: {  	v0 =	vmul.f32 v0, v57;
	_ =	sdelay $0x1  }
0x18e: {  	[tilespmem:v7+s13+$0x0] =	vst.idx.msk $0xffff, v0  }
0x18f: {  	v0 =	vld [tilespmem:s3+$0x11430];
	_ =	sdelay $0x4  }
0x190: {  	v0 =	vsub.f32 v0, v56;
	_ =	sdelay $0x1  }
0x191: {  	v0 =	vmul.f32 v0, v57;
	_ =	sdelay $0x1  }
0x192: {  	s10 =	rddreg [dreg:$0x14];
	[tilespmem:v61+s13+$0x0] =	vst.idx.msk $0xffff, v0  }
0x193: {  	[hbm4b:s10+s2] =	stream.linear.scatter [tilespmem:s13], [sflag:$0xF], $0x4000, $0x38;
	[tilespmem:$0x1D240] =	vst v63  }
0x194: {  	_ =	swait.ge [sflag:s15], $0x4000  }
0x195: {  	[sflag:s15] =	ssyncset.done $0x0  }
0x196: {  	s12 =	rddreg [dreg:$0x15];
	[sflag:s15] =	ssyncadd.s32 $0xFFFFC000  }
0x197: {  	[hbm4b:s12+s30] =	stream.strided.scatter [tilespmem:s6], [sflag:$0x9], $0x4000, s5, s30, $0x38;
	[tilespmem:$0x1D240] =	vst v63  }
0x198: {  	_ =	swait.ge [sflag:s16], $0x4000  }
0x199: {  	[sflag:s16] =	ssyncset.done $0x0  }
0x19a: {  	s0 =	rddreg [dreg:$0x16];
	[sflag:s16] =	ssyncadd.s32 $0xFFFFC000  }
0x19b: {  	[hbm4b:s0+s30] =	stream.strided.scatter [tilespmem:s7], [sflag:$0xB], $0x4000, s5, s30, $0x38;
	[tilespmem:$0x1D240] =	vst v63  }
0x19c: {  	s0 =	simm.s32 $0x880  }
0x19d: {  	[tilespmem:s17], [sflag:$0x6] =	stream.indirect.gather [spmem:s1], $0x80, s0, s4, $0xb8;
	[tilespmem:$0x1D240] =	vst v63  }
0x19e: {  	s10 =	simm.s32 $0xA80  }
0x19f: {  	[tilespmem:s18], [sflag:$0x8] =	stream.indirect.gather [spmem:s22], $0x80, s10, s4, $0xb8;
	[tilespmem:$0x1D240] =	vst v63  }
0x1a0: {  	_ =	swait.ge [sflag:s19], $0x4000  }
0x1a1: {  	[sflag:s19] =	ssyncset.done $0x0  }
0x1a2: {  	s12 =	rddreg [dreg:$0x17];
	[sflag:s19] =	ssyncadd.s32 $0xFFFFC000  }
0x1a3: {  	[hbm4b:s12+s30] =	stream.strided.scatter [tilespmem:s17], [sflag:$0xA], $0x4000, s5, s30, $0x38;
	[tilespmem:$0x1D240] =	vst v63  }
0x1a4: {  	_ =	swait.ge [sflag:s21], $0x4000  }
0x1a5: {  	[sflag:s21] =	ssyncset.done $0x0  }
0x1a6: {  	s0 =	rddreg [dreg:$0x18];
	[sflag:s21] =	ssyncadd.s32 $0xFFFFC000  }
0x1a7: {  	[hbm4b:s0+s30] =	stream.strided.scatter [tilespmem:s18], [sflag:$0xC], $0x4000, s5, s30, $0x38;
	[tilespmem:$0x1D240] =	vst v63  }
0x1a8: {  	_ =	swait.ge [sflag:s23], $0x4000  }
0x1a9: {  	[sflag:s23] =	ssyncset.done $0x0  }
0x1aa: {  	s8 =	simm.s32 $0x900;
	[sflag:s23] =	ssyncadd.s32 $0xFFFFC000  }
0x1ab: {  	[tilespmem:s6], [sflag:$0x5] =	stream.indirect.gather [spmem:s1], $0x80, s8, s4, $0xb8;
	[tilespmem:$0x1D240] =	vst v63  }
0x1ac: {  	_ =	swait.ge [sflag:s24], $0x4000  }
0x1ad: {  	[sflag:s24] =	ssyncset.done $0x0  }
0x1ae: {  	s10 =	simm.s32 $0xB00;
	[sflag:s24] =	ssyncadd.s32 $0xFFFFC000  }
0x1af: {  	[tilespmem:s7], [sflag:$0x7] =	stream.indirect.gather [spmem:s22], $0x80, s10, s4, $0xb8;
	[tilespmem:$0x1D240] =	vst v63  }
0x1b0: {  	_ =	swait.ge [sflag:s15], $0x4000  }
0x1b1: {  	[sflag:s15] =	ssyncset.done $0x0  }
0x1b2: {  	s12 =	rddreg [dreg:$0x19];
	[sflag:s15] =	ssyncadd.s32 $0xFFFFC000  }
0x1b3: {  	[hbm4b:s12+s30] =	stream.strided.scatter [tilespmem:s6], [sflag:$0x9], $0x4000, s5, s30, $0x38;
	[tilespmem:$0x1D240] =	vst v63  }
0x1b4: {  	_ =	swait.ge [sflag:s16], $0x4000  }
0x1b5: {  	[sflag:s16] =	ssyncset.done $0x0  }
0x1b6: {  	s0 =	rddreg [dreg:$0x1a];
	[sflag:s16] =	ssyncadd.s32 $0xFFFFC000  }
0x1b7: {  	[hbm4b:s0+s30] =	stream.strided.scatter [tilespmem:s7], [sflag:$0xB], $0x4000, s5, s30, $0x38;
	[tilespmem:$0x1D240] =	vst v63  }
0x1b8: {  	_ =	swait.ge [sflag:s25], $0x4000  }
0x1b9: {  	[sflag:s25] =	ssyncset.done $0x0  }
0x1ba: {  	s10 =	simm.s32 $0x980;
	[sflag:s25] =	ssyncadd.s32 $0xFFFFC000  }
0x1bb: {  	[tilespmem:s17], [sflag:$0x6] =	stream.indirect.gather [spmem:s1], $0x80, s10, s4, $0xb8;
	[tilespmem:$0x1D240] =	vst v63  }
0x1bc: {  	_ =	swait.ge [sflag:s26], $0x4000  }
0x1bd: {  	[sflag:s26] =	ssyncset.done $0x0  }
0x1be: {  	s12 =	simm.s32 $0xB80;
	[sflag:s26] =	ssyncadd.s32 $0xFFFFC000  }
0x1bf: {  	[tilespmem:s18], [sflag:$0x8] =	stream.indirect.gather [spmem:s22], $0x80, s12, s4, $0xb8;
	[tilespmem:$0x1D240] =	vst v63  }
0x1c0: {  	_ =	swait.ge [sflag:s19], $0x4000  }
0x1c1: {  	[sflag:s19] =	ssyncset.done $0x0  }
0x1c2: {  	s0 =	rddreg [dreg:$0x1b];
	[sflag:s19] =	ssyncadd.s32 $0xFFFFC000  }
0x1c3: {  	[hbm4b:s0+s30] =	stream.strided.scatter [tilespmem:s17], [sflag:$0xA], $0x4000, s5, s30, $0x38;
	[tilespmem:$0x1D240] =	vst v63  }
0x1c4: {  	_ =	swait.ge [sflag:s21], $0x4000  }
0x1c5: {  	[sflag:s21] =	ssyncset.done $0x0  }
0x1c6: {  	s10 =	rddreg [dreg:$0x1c];
	[sflag:s21] =	ssyncadd.s32 $0xFFFFC000  }
0x1c7: {  	[hbm4b:s10+s30] =	stream.strided.scatter [tilespmem:s18], [sflag:$0xC], $0x4000, s5, s30, $0x38;
	[tilespmem:$0x1D240] =	vst v63  }
0x1c8: {  	_ =	swait.ge [sflag:s23], $0x4000  }
0x1c9: {  	[sflag:s23] =	ssyncset.done $0x0  }
0x1ca: {  	[sflag:s23] =	ssyncadd.s32 $0xFFFFC000  }
0x1cb: {  	_ =	swait.ge [sflag:s25], $0x4000  }
0x1cc: {  	[sflag:s25] =	ssyncset.done $0x0  }
0x1cd: {  	[sflag:s25] =	ssyncadd.s32 $0xFFFFC000  }
0x1ce: {  	_ =	swait.ge [sflag:s24], $0x4000  }
0x1cf: {  	[sflag:s24] =	ssyncset.done $0x0  }
0x1d0: {  	[sflag:s24] =	ssyncadd.s32 $0xFFFFC000  }
0x1d1: {  	_ =	swait.ge [sflag:s26], $0x4000  }
0x1d2: {  	[sflag:s26] =	ssyncset.done $0x0  }
0x1d3: {  	[sflag:s26] =	ssyncadd.s32 $0xFFFFC000  }
0x1d4: {  	_ =	swait.ge [sflag:s9], $0x4000  }
0x1d5: {  	[sflag:s9] =	ssyncset.done $0x0  }
0x1d6: {  	[sflag:s9] =	ssyncadd.s32 $0xFFFFC000  }
0x1d7: {  	_ =	swait.ge [sflag:s14], $0x4000  }
0x1d8: {  	s28 =	sadd.s32 $0x1, s28;
	s12 =	rddreg [dreg:$0x1f]  }
0x1d9: {  	p1 =	sne.s32 s28, s12  }
.Ltmp1:
0x1da: {  	_ = 	snop;
	(pc) =	sbr.rel @p1 .LBB2_1-.Ltmp1, $3  }
0x1db: {  	_ =	sdelay $0x1  }
0x1dc: {  	[sflag:s14] =	ssyncset.done $0x0  }
0x1dd: {  	[sflag:s14] =	ssyncadd.s32 $0xFFFFC000  }
0x1de: {  	_ =	sfence.sel $0x180000  }
0x1df: {  	[bflag:$0x0] =	sbarrier.arrive $0xFFFF  }
0x1e0: {  	_ =	strace $0x90000047  }
0x1e1: {  	[bflag:$0x2] =	sbarrier.arrive $0xFFFF  }
0x1e2: {  	s0 =	rddreg [dreg:$0x9]  }
0x1e3: {  	s0 =	sadd.s32 @!p0 $0x100000, s0  }
0x1e4: {  	[sflag:s0] =	ssyncadd.tile.s32 @!p0 $0x1;
	_ =	shalt  }
.Lfunc_end2:
_tile_overlayer_lowered:
.L_overlay_start_2:
0x1e5: {  	(tag) =	ssettag $0x2  }
0x1e6: {  	s0 =	rddreg [dreg:$0x0];
	s2 =	stileid.u32  }
0x1e7: {  	s1 =	rddreg [dreg:$0x1];
	p0 =	sne.s32 s2, $0x0  }
0x1e8: {  	s3 =	rddreg [dreg:$0x2];
	[bflag:$0x3] =	sbarrier.arrive $0xFFFF;
	s2 =	simm.s32 @!p0 $0x1C10  }
0x1e9: {  	[timem:s3], [sflag:s2] =	dma.local @!p0 [hbm:s0], s1  }
0x1ea: {  	s0 =	simm.s32 @!p0 $0x10  }
0x1eb: {  	_ =	swait.ge @!p0 [sflag:s0], s1  }
0x1ec: {  	s1 =	ssub.s32 @!p0 $0x0, s1;
	[sflag:s0] =	ssyncset.done @!p0 $0x0  }
0x1ed: {  	[sflag:s0] =	ssyncadd.s32 @!p0 s1  }
0x1ee: {  	[bflag:$0x3] =	sbarrier.arrive $0xFFFF  }
0x1ef: {  	_ =	shalt  }

</sc_bundles>
